<compile_context>
chip_gen: v7x
topology: tpu7x:2x2x1
jax: 0.10.2.dev20260603
libtpu: 0.0.44.dev20260713+nightly
codegen_flags: <defaults>
</compile_context>

<pallas_src>
import jax
import jax.numpy as jnp
from jax import lax
from jax.experimental import pallas as pl
from jax.experimental.pallas import tpu as pltpu
from jax.experimental.pallas import tpu_sc as plsc

VOCAB = 100000
EMB = 128
COORD = 4
B = 16384

NC = 2
NS = 16
NW = NC * NS
BPW = B // NW
NK = BPW // 128
L = 16


def _sc_kernel(table_hbm, idx_hbm, co_hbm, wb_hbm, out_hbm,
               idx_v, rows_v, co_v, ce_v, wb_v, gsem):
    wid = lax.axis_index("s") * NC + lax.axis_index("c")
    base = wid * BPW

    pltpu.sync_copy(idx_hbm.at[pl.ds(wid * NK, NK), :], idx_v)
    gcopies = [
        pltpu.async_copy(table_hbm.at[idx_v.at[k]],
                         rows_v.at[pl.ds(k * 128, 128), :], gsem)
        for k in range(NK)
    ]

    pltpu.sync_copy(wb_hbm, wb_v)
    pltpu.sync_copy(co_hbm.at[:, pl.ds(base, BPW)], co_v)

    wrow = wb_v[pl.ds(0, L)]
    brow = wb_v[pl.ds(L, L)]
    wsp = [[wrow[4 * i + j] for j in range(COORD)] for i in range(COORD)]
    bsp = [brow[i] for i in range(COORD)]

    @pl.loop(0, BPW, step=L)
    def _(c0):
        cols = [co_v[j, pl.ds(c0, L)] for j in range(COORD)]
        for i in range(COORD):
            z = cols[0] * wsp[i][0] + bsp[i]
            for j in range(1, COORD):
                z = z + cols[j] * wsp[i][j]
            e = jnp.exp(z + z)
            t = 1.0 - 2.0 / (e + 1.0)
            ce_v[i, pl.ds(c0, L)] = cols[i] + t

    for gcopy in gcopies:
        gcopy.wait()

    @pl.loop(0, BPW, step=L)
    def _(c0):
        ids = lax.iota(jnp.int32, L) + c0
        for i in range(COORD):
            plsc.store_scatter(rows_v,
                               [ids, jnp.full((L,), EMB - COORD + i, jnp.int32)],
                               ce_v[i, pl.ds(c0, L)])

    pltpu.sync_copy(rows_v, out_hbm.at[pl.ds(base, BPW), :])


@jax.jit
def kernel(x, coordinates, table, W, b):
    table128 = jnp.pad(table, ((0, 0), (0, COORD)))
    idx = x.reshape(B // 128, 128).astype(jnp.int32)
    wb = jnp.concatenate([W.reshape(-1), b, jnp.zeros((12,), jnp.float32)])

    mesh = plsc.VectorSubcoreMesh(core_axis_name="c", subcore_axis_name="s")
    run = pl.kernel(
        _sc_kernel,
        out_type=jax.ShapeDtypeStruct((B, EMB), jnp.float32),
        mesh=mesh,
        compiler_params=pltpu.CompilerParams(use_tc_tiling_on_sc=False,
                                             needs_layout_passes=False),
        scratch_types=[
            pltpu.VMEM((NK, 128), jnp.int32),
            pltpu.VMEM((BPW, EMB), jnp.float32),
            pltpu.VMEM((COORD, BPW), jnp.float32),
            pltpu.VMEM((COORD, BPW), jnp.float32),
            pltpu.VMEM((2 * L,), jnp.float32),
            pltpu.SemaphoreType.DMA,
        ],
    )
    out = run(table128, idx, coordinates.T, wb)
    return out.reshape(B, 1, EMB)

# --- scband reference (transcript-rebuilt; emitter-appended) ---
"""Pipeline reference for scband-residual-coordinate-embedding-31155692765670 (READ-ONLY COPY).

The authoritative reference and input builder live on the scoring server;
editing this copy changes nothing except your own understanding.
"""

import jax, jax.numpy as jnp
import numpy as np

VOCAB = 100000
EMB = 128
COORD = 4
B = 16384

def setup_inputs(seed: int = 0) -> dict:
    key = jax.random.key(seed)
    k1, k2, k3, k4, k5 = jax.random.split(key, 5)
    x = jax.random.randint(k1, (B, 1), 0, VOCAB, dtype=jnp.int64 if jax.config.jax_enable_x64 else jnp.int32).astype(jnp.int32)
    coordinates = jax.random.normal(k2, (B, COORD), dtype=jnp.float32)
    table = jax.random.normal(k3, (VOCAB, EMB - COORD), dtype=jnp.float32) * 0.02
    W = jax.random.normal(k4, (COORD, COORD), dtype=jnp.float32) * 0.5
    b = jax.random.normal(k5, (COORD,), dtype=jnp.float32) * 0.01
    return {"x": x, "coordinates": coordinates, "table": table, "W": W, "b": b}

def reference(x, coordinates, table, W, b):
    # embedding lookup (dropout_prob=0.0 -> identity)
    embedded = jnp.take(table, x, axis=0)            # [B, 1, EMB-COORD]
    # residual coordinate embedding
    coord_emb = coordinates + jnp.tanh(coordinates @ W.T + b)  # [B, COORD]
    coord_emb = coord_emb[:, None, :]                # [B, 1, COORD]
    return jnp.concatenate([embedded, coord_emb], axis=2)  # [B, 1, EMB]

if __name__ == "__main__":
    import jax
    _d = setup_inputs()
    print(jax.jit(kernel)(*tuple(_d.values())))

</pallas_src>

<mosaic_0001>
#map = affine_map<(d0, d1) -> (0, 0)>
#map1 = affine_map<(d0, d1) -> (0)>
module attributes {stable_mosaic.version = 14 : i64} {
  func.func @_sc_kernel(%arg0: i32, %arg1: i32, %arg2: memref<100000x128xf32, #tpu.memory_space<hbm>>, %arg3: memref<128x128xi32, #tpu.memory_space<hbm>>, %arg4: memref<4x16384xf32, #tpu.memory_space<hbm>>, %arg5: memref<32xf32, #tpu.memory_space<hbm>>, %arg6: memref<16384x128xf32, #tpu.memory_space<hbm>>, %arg7: memref<4x128xi32, #tpu.memory_space<vmem>>, %arg8: memref<512x128xf32, #tpu.memory_space<vmem>>, %arg9: memref<4x512xf32, #tpu.memory_space<vmem>>, %arg10: memref<4x512xf32, #tpu.memory_space<vmem>>, %arg11: memref<32xf32, #tpu.memory_space<vmem>>, %arg12: memref<!tpu.dma_semaphore, #tpu.memory_space<semaphore_mem>>) attributes {dimension_semantics = [#tpu.dimension_semantics<core_parallel>, #tpu.dimension_semantics<subcore_parallel>], iteration_bounds = array<i64: 2, 16>, scalar_prefetch = 0 : i64, scratch_operands = 6 : i64, tpu.core_type = #tpu.core_type<sc_vector_subcore>, window_params = [{transform_indices = #map}, {transform_indices = #map}, {transform_indices = #map}, {transform_indices = #map1}, {transform_indices = #map}]} {
    %mul3A = arith.constant 2 : i32
    %mul3A_0 = arith.muli %arg1, %mul3A : i32
    %add3A = arith.addi %mul3A_0, %arg0 : i32
    %mul3A_1 = arith.constant 512 : i32
    %mul3A_2 = arith.muli %add3A, %mul3A_1 : i32
    %mul3A_3 = arith.constant 4 : i32
    %mul3A_4 = arith.muli %add3A, %mul3A_3 : i32
    "tpu.region"() ({
      %run_scoped3A = tpu.sem_alloc : memref<!tpu.dma_semaphore, #tpu.memory_space<semaphore_mem>>
      %dma_start3A_133 = arith.constant 0 : i32
      %dma_start3A_134 = tpu.memref_slice %arg3[%mul3A_4, %dma_start3A_133] : memref<128x128xi32, #tpu.memory_space<hbm>> -> memref<4x128xi32, #tpu.memory_space<hbm>>
      %dma_start3A_135 = arith.constant 0 : i32
      %dma_start3A_136 = tpu.memref_slice %arg3[%mul3A_4, %dma_start3A_135] : memref<128x128xi32, #tpu.memory_space<hbm>> -> memref<4x128xi32, #tpu.memory_space<hbm>>
      tpu.enqueue_dma source(%dma_start3A_136 : memref<4x128xi32, #tpu.memory_space<hbm>>) target(%arg7 : memref<4x128xi32, #tpu.memory_space<vmem>>) target_semaphore(%run_scoped3A : memref<!tpu.dma_semaphore, #tpu.memory_space<semaphore_mem>>)
      %dma_wait3A_137 = arith.constant 0 : i32
      %dma_wait3A_138 = tpu.memref_slice %arg3[%mul3A_4, %dma_wait3A_137] : memref<128x128xi32, #tpu.memory_space<hbm>> -> memref<4x128xi32, #tpu.memory_space<hbm>>
      %dma_wait3A_139 = arith.constant 0 : i32
      %dma_wait3A_140 = tpu.memref_slice %arg3[%mul3A_4, %dma_wait3A_139] : memref<128x128xi32, #tpu.memory_space<hbm>> -> memref<4x128xi32, #tpu.memory_space<hbm>>
      tpu.wait_dma2 semaphore(%run_scoped3A : memref<!tpu.dma_semaphore, #tpu.memory_space<semaphore_mem>>) src(%dma_wait3A_140 : memref<4x128xi32, #tpu.memory_space<hbm>>) dst(%arg7 : memref<4x128xi32, #tpu.memory_space<vmem>>)
      tpu.yield
    }) : () -> ()
    %dma_start3A = arith.constant 0 : i32
    %dma_start3A_5 = arith.constant 0 : i32
    %dma_start3A_6 = arith.constant 0 : i32
    %dma_start3A_7 = tpu.memref_slice %arg8[%dma_start3A_5, %dma_start3A_6] : memref<512x128xf32, #tpu.memory_space<vmem>> -> memref<128x128xf32, #tpu.memory_space<vmem>>
    %dma_start3A_8 = arith.constant 0 : i32
    %dma_start3A_9 = tpu.memref_slice %arg7[%dma_start3A, %dma_start3A_8] : memref<4x128xi32, #tpu.memory_space<vmem>> -> memref<1x128xi32, #tpu.memory_space<vmem>>
    %dma_start3A_10 = tpu.memref_squeeze %dma_start3A_9 : memref<1x128xi32, #tpu.memory_space<vmem>> -> memref<128xi32, #tpu.memory_space<vmem>>
    %dma_start3A_11 = arith.constant 0 : i32
    %dma_start3A_12 = arith.constant 0 : i32
    %dma_start3A_13 = tpu.memref_slice %arg2[%dma_start3A_11, %dma_start3A_12] : memref<100000x128xf32, #tpu.memory_space<hbm>> -> memref<100000x128xf32, #tpu.memory_space<hbm>>
    tpu.enqueue_indirect_dma source(%dma_start3A_13 : memref<100000x128xf32, #tpu.memory_space<hbm>>) target(%dma_start3A_7 : memref<128x128xf32, #tpu.memory_space<vmem>>) offsets(%dma_start3A_10 : memref<128xi32, #tpu.memory_space<vmem>>) semaphore(%arg12 : memref<!tpu.dma_semaphore, #tpu.memory_space<semaphore_mem>>)
    %dma_start3A_14 = arith.constant 1 : i32
    %dma_start3A_15 = arith.constant 128 : i32
    %dma_start3A_16 = arith.constant 0 : i32
    %dma_start3A_17 = tpu.memref_slice %arg8[%dma_start3A_15, %dma_start3A_16] : memref<512x128xf32, #tpu.memory_space<vmem>> -> memref<128x128xf32, #tpu.memory_space<vmem>>
    %dma_start3A_18 = arith.constant 0 : i32
    %dma_start3A_19 = tpu.memref_slice %arg7[%dma_start3A_14, %dma_start3A_18] : memref<4x128xi32, #tpu.memory_space<vmem>> -> memref<1x128xi32, #tpu.memory_space<vmem>>
    %dma_start3A_20 = tpu.memref_squeeze %dma_start3A_19 : memref<1x128xi32, #tpu.memory_space<vmem>> -> memref<128xi32, #tpu.memory_space<vmem>>
    %dma_start3A_21 = arith.constant 0 : i32
    %dma_start3A_22 = arith.constant 0 : i32
    %dma_start3A_23 = tpu.memref_slice %arg2[%dma_start3A_21, %dma_start3A_22] : memref<100000x128xf32, #tpu.memory_space<hbm>> -> memref<100000x128xf32, #tpu.memory_space<hbm>>
    tpu.enqueue_indirect_dma source(%dma_start3A_23 : memref<100000x128xf32, #tpu.memory_space<hbm>>) target(%dma_start3A_17 : memref<128x128xf32, #tpu.memory_space<vmem>>) offsets(%dma_start3A_20 : memref<128xi32, #tpu.memory_space<vmem>>) semaphore(%arg12 : memref<!tpu.dma_semaphore, #tpu.memory_space<semaphore_mem>>)
    %dma_start3A_24 = arith.constant 2 : i32
    %dma_start3A_25 = arith.constant 256 : i32
    %dma_start3A_26 = arith.constant 0 : i32
    %dma_start3A_27 = tpu.memref_slice %arg8[%dma_start3A_25, %dma_start3A_26] : memref<512x128xf32, #tpu.memory_space<vmem>> -> memref<128x128xf32, #tpu.memory_space<vmem>>
    %dma_start3A_28 = arith.constant 0 : i32
    %dma_start3A_29 = tpu.memref_slice %arg7[%dma_start3A_24, %dma_start3A_28] : memref<4x128xi32, #tpu.memory_space<vmem>> -> memref<1x128xi32, #tpu.memory_space<vmem>>
    %dma_start3A_30 = tpu.memref_squeeze %dma_start3A_29 : memref<1x128xi32, #tpu.memory_space<vmem>> -> memref<128xi32, #tpu.memory_space<vmem>>
    %dma_start3A_31 = arith.constant 0 : i32
    %dma_start3A_32 = arith.constant 0 : i32
    %dma_start3A_33 = tpu.memref_slice %arg2[%dma_start3A_31, %dma_start3A_32] : memref<100000x128xf32, #tpu.memory_space<hbm>> -> memref<100000x128xf32, #tpu.memory_space<hbm>>
    tpu.enqueue_indirect_dma source(%dma_start3A_33 : memref<100000x128xf32, #tpu.memory_space<hbm>>) target(%dma_start3A_27 : memref<128x128xf32, #tpu.memory_space<vmem>>) offsets(%dma_start3A_30 : memref<128xi32, #tpu.memory_space<vmem>>) semaphore(%arg12 : memref<!tpu.dma_semaphore, #tpu.memory_space<semaphore_mem>>)
    %dma_start3A_34 = arith.constant 3 : i32
    %dma_start3A_35 = arith.constant 384 : i32
    %dma_start3A_36 = arith.constant 0 : i32
    %dma_start3A_37 = tpu.memref_slice %arg8[%dma_start3A_35, %dma_start3A_36] : memref<512x128xf32, #tpu.memory_space<vmem>> -> memref<128x128xf32, #tpu.memory_space<vmem>>
    %dma_start3A_38 = arith.constant 0 : i32
    %dma_start3A_39 = tpu.memref_slice %arg7[%dma_start3A_34, %dma_start3A_38] : memref<4x128xi32, #tpu.memory_space<vmem>> -> memref<1x128xi32, #tpu.memory_space<vmem>>
    %dma_start3A_40 = tpu.memref_squeeze %dma_start3A_39 : memref<1x128xi32, #tpu.memory_space<vmem>> -> memref<128xi32, #tpu.memory_space<vmem>>
    %dma_start3A_41 = arith.constant 0 : i32
    %dma_start3A_42 = arith.constant 0 : i32
    %dma_start3A_43 = tpu.memref_slice %arg2[%dma_start3A_41, %dma_start3A_42] : memref<100000x128xf32, #tpu.memory_space<hbm>> -> memref<100000x128xf32, #tpu.memory_space<hbm>>
    tpu.enqueue_indirect_dma source(%dma_start3A_43 : memref<100000x128xf32, #tpu.memory_space<hbm>>) target(%dma_start3A_37 : memref<128x128xf32, #tpu.memory_space<vmem>>) offsets(%dma_start3A_40 : memref<128xi32, #tpu.memory_space<vmem>>) semaphore(%arg12 : memref<!tpu.dma_semaphore, #tpu.memory_space<semaphore_mem>>)
    "tpu.region"() ({
      %run_scoped3A = tpu.sem_alloc : memref<!tpu.dma_semaphore, #tpu.memory_space<semaphore_mem>>
      tpu.enqueue_dma source(%arg5 : memref<32xf32, #tpu.memory_space<hbm>>) target(%arg11 : memref<32xf32, #tpu.memory_space<vmem>>) target_semaphore(%run_scoped3A : memref<!tpu.dma_semaphore, #tpu.memory_space<semaphore_mem>>)
      tpu.wait_dma2 semaphore(%run_scoped3A : memref<!tpu.dma_semaphore, #tpu.memory_space<semaphore_mem>>) src(%arg5 : memref<32xf32, #tpu.memory_space<hbm>>) dst(%arg11 : memref<32xf32, #tpu.memory_space<vmem>>)
      tpu.yield
    }) : () -> ()
    "tpu.region"() ({
      %run_scoped3A = tpu.sem_alloc : memref<!tpu.dma_semaphore, #tpu.memory_space<semaphore_mem>>
      %dma_start3A_133 = arith.constant 0 : i32
      %dma_start3A_134 = tpu.memref_slice %arg4[%dma_start3A_133, %mul3A_2] : memref<4x16384xf32, #tpu.memory_space<hbm>> -> memref<4x512xf32, #tpu.memory_space<hbm>>
      %dma_start3A_135 = arith.constant 0 : i32
      %dma_start3A_136 = tpu.memref_slice %arg4[%dma_start3A_135, %mul3A_2] : memref<4x16384xf32, #tpu.memory_space<hbm>> -> memref<4x512xf32, #tpu.memory_space<hbm>>
      tpu.enqueue_dma source(%dma_start3A_136 : memref<4x512xf32, #tpu.memory_space<hbm>>) target(%arg9 : memref<4x512xf32, #tpu.memory_space<vmem>>) target_semaphore(%run_scoped3A : memref<!tpu.dma_semaphore, #tpu.memory_space<semaphore_mem>>)
      %dma_wait3A_137 = arith.constant 0 : i32
      %dma_wait3A_138 = tpu.memref_slice %arg4[%dma_wait3A_137, %mul3A_2] : memref<4x16384xf32, #tpu.memory_space<hbm>> -> memref<4x512xf32, #tpu.memory_space<hbm>>
      %dma_wait3A_139 = arith.constant 0 : i32
      %dma_wait3A_140 = tpu.memref_slice %arg4[%dma_wait3A_139, %mul3A_2] : memref<4x16384xf32, #tpu.memory_space<hbm>> -> memref<4x512xf32, #tpu.memory_space<hbm>>
      tpu.wait_dma2 semaphore(%run_scoped3A : memref<!tpu.dma_semaphore, #tpu.memory_space<semaphore_mem>>) src(%dma_wait3A_140 : memref<4x512xf32, #tpu.memory_space<hbm>>) dst(%arg9 : memref<4x512xf32, #tpu.memory_space<vmem>>)
      tpu.yield
    }) : () -> ()
    %get3A = arith.constant 0 : index
    %get3A_44 = tpu.vector_load %arg11[%get3A] {strides = array<i32>} : memref<32xf32, #tpu.memory_space<vmem>>, vector<16xf32>,
    %get3A_45 = arith.constant 16 : index
    %get3A_46 = tpu.vector_load %arg11[%get3A_45] {strides = array<i32>} : memref<32xf32, #tpu.memory_space<vmem>>, vector<16xf32>,
    %slice3A = vector.extract_strided_slice %get3A_44 {offsets = [0], sizes = [1], strides = [1]} : vector<16xf32> to vector<1xf32>
    %squeeze3A = vector.extract %slice3A[0] : f32 from vector<1xf32>
    %slice3A_47 = vector.extract_strided_slice %get3A_44 {offsets = [1], sizes = [1], strides = [1]} : vector<16xf32> to vector<1xf32>
    %squeeze3A_48 = vector.extract %slice3A_47[0] : f32 from vector<1xf32>
    %slice3A_49 = vector.extract_strided_slice %get3A_44 {offsets = [2], sizes = [1], strides = [1]} : vector<16xf32> to vector<1xf32>
    %squeeze3A_50 = vector.extract %slice3A_49[0] : f32 from vector<1xf32>
    %slice3A_51 = vector.extract_strided_slice %get3A_44 {offsets = [3], sizes = [1], strides = [1]} : vector<16xf32> to vector<1xf32>
    %squeeze3A_52 = vector.extract %slice3A_51[0] : f32 from vector<1xf32>
    %slice3A_53 = vector.extract_strided_slice %get3A_44 {offsets = [4], sizes = [1], strides = [1]} : vector<16xf32> to vector<1xf32>
    %squeeze3A_54 = vector.extract %slice3A_53[0] : f32 from vector<1xf32>
    %slice3A_55 = vector.extract_strided_slice %get3A_44 {offsets = [5], sizes = [1], strides = [1]} : vector<16xf32> to vector<1xf32>
    %squeeze3A_56 = vector.extract %slice3A_55[0] : f32 from vector<1xf32>
    %slice3A_57 = vector.extract_strided_slice %get3A_44 {offsets = [6], sizes = [1], strides = [1]} : vector<16xf32> to vector<1xf32>
    %squeeze3A_58 = vector.extract %slice3A_57[0] : f32 from vector<1xf32>
    %slice3A_59 = vector.extract_strided_slice %get3A_44 {offsets = [7], sizes = [1], strides = [1]} : vector<16xf32> to vector<1xf32>
    %squeeze3A_60 = vector.extract %slice3A_59[0] : f32 from vector<1xf32>
    %slice3A_61 = vector.extract_strided_slice %get3A_44 {offsets = [8], sizes = [1], strides = [1]} : vector<16xf32> to vector<1xf32>
    %squeeze3A_62 = vector.extract %slice3A_61[0] : f32 from vector<1xf32>
    %slice3A_63 = vector.extract_strided_slice %get3A_44 {offsets = [9], sizes = [1], strides = [1]} : vector<16xf32> to vector<1xf32>
    %squeeze3A_64 = vector.extract %slice3A_63[0] : f32 from vector<1xf32>
    %slice3A_65 = vector.extract_strided_slice %get3A_44 {offsets = [10], sizes = [1], strides = [1]} : vector<16xf32> to vector<1xf32>
    %squeeze3A_66 = vector.extract %slice3A_65[0] : f32 from vector<1xf32>
    %slice3A_67 = vector.extract_strided_slice %get3A_44 {offsets = [11], sizes = [1], strides = [1]} : vector<16xf32> to vector<1xf32>
    %squeeze3A_68 = vector.extract %slice3A_67[0] : f32 from vector<1xf32>
    %slice3A_69 = vector.extract_strided_slice %get3A_44 {offsets = [12], sizes = [1], strides = [1]} : vector<16xf32> to vector<1xf32>
    %squeeze3A_70 = vector.extract %slice3A_69[0] : f32 from vector<1xf32>
    %slice3A_71 = vector.extract_strided_slice %get3A_44 {offsets = [13], sizes = [1], strides = [1]} : vector<16xf32> to vector<1xf32>
    %squeeze3A_72 = vector.extract %slice3A_71[0] : f32 from vector<1xf32>
    %slice3A_73 = vector.extract_strided_slice %get3A_44 {offsets = [14], sizes = [1], strides = [1]} : vector<16xf32> to vector<1xf32>
    %squeeze3A_74 = vector.extract %slice3A_73[0] : f32 from vector<1xf32>
    %slice3A_75 = vector.extract_strided_slice %get3A_44 {offsets = [15], sizes = [1], strides = [1]} : vector<16xf32> to vector<1xf32>
    %squeeze3A_76 = vector.extract %slice3A_75[0] : f32 from vector<1xf32>
    %slice3A_77 = vector.extract_strided_slice %get3A_46 {offsets = [0], sizes = [1], strides = [1]} : vector<16xf32> to vector<1xf32>
    %squeeze3A_78 = vector.extract %slice3A_77[0] : f32 from vector<1xf32>
    %slice3A_79 = vector.extract_strided_slice %get3A_46 {offsets = [1], sizes = [1], strides = [1]} : vector<16xf32> to vector<1xf32>
    %squeeze3A_80 = vector.extract %slice3A_79[0] : f32 from vector<1xf32>
    %slice3A_81 = vector.extract_strided_slice %get3A_46 {offsets = [2], sizes = [1], strides = [1]} : vector<16xf32> to vector<1xf32>
    %squeeze3A_82 = vector.extract %slice3A_81[0] : f32 from vector<1xf32>
    %slice3A_83 = vector.extract_strided_slice %get3A_46 {offsets = [3], sizes = [1], strides = [1]} : vector<16xf32> to vector<1xf32>
    %squeeze3A_84 = vector.extract %slice3A_83[0] : f32 from vector<1xf32>
    %scan3A = arith.constant 0 : i32
    %scan3A_85 = arith.constant 32 : i32
    %scan3A_86 = arith.addi %scan3A, %scan3A_85 : i32
    %scan3A_87 = arith.constant 1 : i32
    scf.for %scan3A_133 = %scan3A to %scan3A_86 step %scan3A_87  : i32 {
      %mul3A_134 = arith.constant 16 : i32
      %mul3A_135 = arith.muli %scan3A_133, %mul3A_134 : i32
      %add3A_136 = arith.constant 0 : i32
      %add3A_137 = arith.addi %add3A_136, %mul3A_135 : i32
      %get3A_138 = arith.constant 0 : i32
      %get3A_139 = arith.index_cast %get3A_138 : i32 to index
      %get3A_140 = arith.index_cast %add3A_137 : i32 to index
      %get3A_141 = tpu.vector_load %arg9[%get3A_139, %get3A_140] {strides = array<i32>} : memref<4x512xf32, #tpu.memory_space<vmem>>, vector<16xf32>,
      %get3A_142 = arith.constant 1 : i32
      %get3A_143 = arith.index_cast %get3A_142 : i32 to index
      %get3A_144 = arith.index_cast %add3A_137 : i32 to index
      %get3A_145 = tpu.vector_load %arg9[%get3A_143, %get3A_144] {strides = array<i32>} : memref<4x512xf32, #tpu.memory_space<vmem>>, vector<16xf32>,
      %get3A_146 = arith.constant 2 : i32
      %get3A_147 = arith.index_cast %get3A_146 : i32 to index
      %get3A_148 = arith.index_cast %add3A_137 : i32 to index
      %get3A_149 = tpu.vector_load %arg9[%get3A_147, %get3A_148] {strides = array<i32>} : memref<4x512xf32, #tpu.memory_space<vmem>>, vector<16xf32>,
      %get3A_150 = arith.constant 3 : i32
      %get3A_151 = arith.index_cast %get3A_150 : i32 to index
      %get3A_152 = arith.index_cast %add3A_137 : i32 to index
      %get3A_153 = tpu.vector_load %arg9[%get3A_151, %get3A_152] {strides = array<i32>} : memref<4x512xf32, #tpu.memory_space<vmem>>, vector<16xf32>,
      %mul3A_154 = vector.broadcast %squeeze3A : f32 to vector<16xf32>
      %mul3A_155 = arith.mulf %get3A_141, %mul3A_154 : vector<16xf32>
      %add3A_156 = vector.broadcast %squeeze3A_78 : f32 to vector<16xf32>
      %add3A_157 = arith.addf %mul3A_155, %add3A_156 : vector<16xf32>
      %mul3A_158 = vector.broadcast %squeeze3A_48 : f32 to vector<16xf32>
      %mul3A_159 = arith.mulf %get3A_145, %mul3A_158 : vector<16xf32>
      %add3A_160 = arith.addf %add3A_157, %mul3A_159 : vector<16xf32>
      %mul3A_161 = vector.broadcast %squeeze3A_50 : f32 to vector<16xf32>
      %mul3A_162 = arith.mulf %get3A_149, %mul3A_161 : vector<16xf32>
      %add3A_163 = arith.addf %add3A_160, %mul3A_162 : vector<16xf32>
      %mul3A_164 = vector.broadcast %squeeze3A_52 : f32 to vector<16xf32>
      %mul3A_165 = arith.mulf %get3A_153, %mul3A_164 : vector<16xf32>
      %add3A_166 = arith.addf %add3A_163, %mul3A_165 : vector<16xf32>
      %add3A_167 = arith.addf %add3A_166, %add3A_166 : vector<16xf32>
      %exp3A = math.exp %add3A_167 : vector<16xf32>
      %add3A_168 = arith.constant 1.000000e+00 : f32
      %add3A_169 = vector.broadcast %add3A_168 : f32 to vector<16xf32>
      %add3A_170 = arith.addf %exp3A, %add3A_169 : vector<16xf32>
      %div3A = arith.constant 2.000000e+00 : f32
      %div3A_171 = vector.broadcast %div3A : f32 to vector<16xf32>
      %div3A_172 = arith.divf %div3A_171, %add3A_170 : vector<16xf32>
      %sub3A = arith.constant 1.000000e+00 : f32
      %sub3A_173 = vector.broadcast %sub3A : f32 to vector<16xf32>
      %sub3A_174 = arith.subf %sub3A_173, %div3A_172 : vector<16xf32>
      %add3A_175 = arith.addf %get3A_141, %sub3A_174 : vector<16xf32>
      %swap3A = arith.constant 0 : i32
      %swap3A_176 = arith.index_cast %swap3A : i32 to index
      %swap3A_177 = arith.index_cast %add3A_137 : i32 to index
      %swap3A_178 = tpu.vector_load %arg10[%swap3A_176, %swap3A_177] {strides = array<i32>} : memref<4x512xf32, #tpu.memory_space<vmem>>, vector<16xf32>,
      tpu.vector_store %arg10[%swap3A_176, %swap3A_177], %add3A_175 {strides = array<i32>} : memref<4x512xf32, #tpu.memory_space<vmem>>, vector<16xf32>,
      %mul3A_179 = vector.broadcast %squeeze3A_54 : f32 to vector<16xf32>
      %mul3A_180 = arith.mulf %get3A_141, %mul3A_179 : vector<16xf32>
      %add3A_181 = vector.broadcast %squeeze3A_80 : f32 to vector<16xf32>
      %add3A_182 = arith.addf %mul3A_180, %add3A_181 : vector<16xf32>
      %mul3A_183 = vector.broadcast %squeeze3A_56 : f32 to vector<16xf32>
      %mul3A_184 = arith.mulf %get3A_145, %mul3A_183 : vector<16xf32>
      %add3A_185 = arith.addf %add3A_182, %mul3A_184 : vector<16xf32>
      %mul3A_186 = vector.broadcast %squeeze3A_58 : f32 to vector<16xf32>
      %mul3A_187 = arith.mulf %get3A_149, %mul3A_186 : vector<16xf32>
      %add3A_188 = arith.addf %add3A_185, %mul3A_187 : vector<16xf32>
      %mul3A_189 = vector.broadcast %squeeze3A_60 : f32 to vector<16xf32>
      %mul3A_190 = arith.mulf %get3A_153, %mul3A_189 : vector<16xf32>
      %add3A_191 = arith.addf %add3A_188, %mul3A_190 : vector<16xf32>
      %add3A_192 = arith.addf %add3A_191, %add3A_191 : vector<16xf32>
      %exp3A_193 = math.exp %add3A_192 : vector<16xf32>
      %add3A_194 = arith.constant 1.000000e+00 : f32
      %add3A_195 = vector.broadcast %add3A_194 : f32 to vector<16xf32>
      %add3A_196 = arith.addf %exp3A_193, %add3A_195 : vector<16xf32>
      %div3A_197 = arith.constant 2.000000e+00 : f32
      %div3A_198 = vector.broadcast %div3A_197 : f32 to vector<16xf32>
      %div3A_199 = arith.divf %div3A_198, %add3A_196 : vector<16xf32>
      %sub3A_200 = arith.constant 1.000000e+00 : f32
      %sub3A_201 = vector.broadcast %sub3A_200 : f32 to vector<16xf32>
      %sub3A_202 = arith.subf %sub3A_201, %div3A_199 : vector<16xf32>
      %add3A_203 = arith.addf %get3A_145, %sub3A_202 : vector<16xf32>
      %swap3A_204 = arith.constant 1 : i32
      %swap3A_205 = arith.index_cast %swap3A_204 : i32 to index
      %swap3A_206 = arith.index_cast %add3A_137 : i32 to index
      %swap3A_207 = tpu.vector_load %arg10[%swap3A_205, %swap3A_206] {strides = array<i32>} : memref<4x512xf32, #tpu.memory_space<vmem>>, vector<16xf32>,
      tpu.vector_store %arg10[%swap3A_205, %swap3A_206], %add3A_203 {strides = array<i32>} : memref<4x512xf32, #tpu.memory_space<vmem>>, vector<16xf32>,
      %mul3A_208 = vector.broadcast %squeeze3A_62 : f32 to vector<16xf32>
      %mul3A_209 = arith.mulf %get3A_141, %mul3A_208 : vector<16xf32>
      %add3A_210 = vector.broadcast %squeeze3A_82 : f32 to vector<16xf32>
      %add3A_211 = arith.addf %mul3A_209, %add3A_210 : vector<16xf32>
      %mul3A_212 = vector.broadcast %squeeze3A_64 : f32 to vector<16xf32>
      %mul3A_213 = arith.mulf %get3A_145, %mul3A_212 : vector<16xf32>
      %add3A_214 = arith.addf %add3A_211, %mul3A_213 : vector<16xf32>
      %mul3A_215 = vector.broadcast %squeeze3A_66 : f32 to vector<16xf32>
      %mul3A_216 = arith.mulf %get3A_149, %mul3A_215 : vector<16xf32>
      %add3A_217 = arith.addf %add3A_214, %mul3A_216 : vector<16xf32>
      %mul3A_218 = vector.broadcast %squeeze3A_68 : f32 to vector<16xf32>
      %mul3A_219 = arith.mulf %get3A_153, %mul3A_218 : vector<16xf32>
      %add3A_220 = arith.addf %add3A_217, %mul3A_219 : vector<16xf32>
      %add3A_221 = arith.addf %add3A_220, %add3A_220 : vector<16xf32>
      %exp3A_222 = math.exp %add3A_221 : vector<16xf32>
      %add3A_223 = arith.constant 1.000000e+00 : f32
      %add3A_224 = vector.broadcast %add3A_223 : f32 to vector<16xf32>
      %add3A_225 = arith.addf %exp3A_222, %add3A_224 : vector<16xf32>
      %div3A_226 = arith.constant 2.000000e+00 : f32
      %div3A_227 = vector.broadcast %div3A_226 : f32 to vector<16xf32>
      %div3A_228 = arith.divf %div3A_227, %add3A_225 : vector<16xf32>
      %sub3A_229 = arith.constant 1.000000e+00 : f32
      %sub3A_230 = vector.broadcast %sub3A_229 : f32 to vector<16xf32>
      %sub3A_231 = arith.subf %sub3A_230, %div3A_228 : vector<16xf32>
      %add3A_232 = arith.addf %get3A_149, %sub3A_231 : vector<16xf32>
      %swap3A_233 = arith.constant 2 : i32
      %swap3A_234 = arith.index_cast %swap3A_233 : i32 to index
      %swap3A_235 = arith.index_cast %add3A_137 : i32 to index
      %swap3A_236 = tpu.vector_load %arg10[%swap3A_234, %swap3A_235] {strides = array<i32>} : memref<4x512xf32, #tpu.memory_space<vmem>>, vector<16xf32>,
      tpu.vector_store %arg10[%swap3A_234, %swap3A_235], %add3A_232 {strides = array<i32>} : memref<4x512xf32, #tpu.memory_space<vmem>>, vector<16xf32>,
      %mul3A_237 = vector.broadcast %squeeze3A_70 : f32 to vector<16xf32>
      %mul3A_238 = arith.mulf %get3A_141, %mul3A_237 : vector<16xf32>
      %add3A_239 = vector.broadcast %squeeze3A_84 : f32 to vector<16xf32>
      %add3A_240 = arith.addf %mul3A_238, %add3A_239 : vector<16xf32>
      %mul3A_241 = vector.broadcast %squeeze3A_72 : f32 to vector<16xf32>
      %mul3A_242 = arith.mulf %get3A_145, %mul3A_241 : vector<16xf32>
      %add3A_243 = arith.addf %add3A_240, %mul3A_242 : vector<16xf32>
      %mul3A_244 = vector.broadcast %squeeze3A_74 : f32 to vector<16xf32>
      %mul3A_245 = arith.mulf %get3A_149, %mul3A_244 : vector<16xf32>
      %add3A_246 = arith.addf %add3A_243, %mul3A_245 : vector<16xf32>
      %mul3A_247 = vector.broadcast %squeeze3A_76 : f32 to vector<16xf32>
      %mul3A_248 = arith.mulf %get3A_153, %mul3A_247 : vector<16xf32>
      %add3A_249 = arith.addf %add3A_246, %mul3A_248 : vector<16xf32>
      %add3A_250 = arith.addf %add3A_249, %add3A_249 : vector<16xf32>
      %exp3A_251 = math.exp %add3A_250 : vector<16xf32>
      %add3A_252 = arith.constant 1.000000e+00 : f32
      %add3A_253 = vector.broadcast %add3A_252 : f32 to vector<16xf32>
      %add3A_254 = arith.addf %exp3A_251, %add3A_253 : vector<16xf32>
      %div3A_255 = arith.constant 2.000000e+00 : f32
      %div3A_256 = vector.broadcast %div3A_255 : f32 to vector<16xf32>
      %div3A_257 = arith.divf %div3A_256, %add3A_254 : vector<16xf32>
      %sub3A_258 = arith.constant 1.000000e+00 : f32
      %sub3A_259 = vector.broadcast %sub3A_258 : f32 to vector<16xf32>
      %sub3A_260 = arith.subf %sub3A_259, %div3A_257 : vector<16xf32>
      %add3A_261 = arith.addf %get3A_153, %sub3A_260 : vector<16xf32>
      %swap3A_262 = arith.constant 3 : i32
      %swap3A_263 = arith.index_cast %swap3A_262 : i32 to index
      %swap3A_264 = arith.index_cast %add3A_137 : i32 to index
      %swap3A_265 = tpu.vector_load %arg10[%swap3A_263, %swap3A_264] {strides = array<i32>} : memref<4x512xf32, #tpu.memory_space<vmem>>, vector<16xf32>,
      tpu.vector_store %arg10[%swap3A_263, %swap3A_264], %add3A_261 {strides = array<i32>} : memref<4x512xf32, #tpu.memory_space<vmem>>, vector<16xf32>,
    }
    %scan3A_88 = arith.constant 32 : i32
    %dma_wait3A = arith.constant 0 : i32
    %dma_wait3A_89 = arith.constant 0 : i32
    %dma_wait3A_90 = arith.constant 0 : i32
    %dma_wait3A_91 = tpu.memref_slice %arg8[%dma_wait3A_89, %dma_wait3A_90] : memref<512x128xf32, #tpu.memory_space<vmem>> -> memref<128x128xf32, #tpu.memory_space<vmem>>
    %dma_wait3A_92 = arith.constant 0 : i32
    %dma_wait3A_93 = tpu.memref_slice %arg7[%dma_wait3A, %dma_wait3A_92] : memref<4x128xi32, #tpu.memory_space<vmem>> -> memref<1x128xi32, #tpu.memory_space<vmem>>
    %dma_wait3A_94 = tpu.memref_squeeze %dma_wait3A_93 : memref<1x128xi32, #tpu.memory_space<vmem>> -> memref<128xi32, #tpu.memory_space<vmem>>
    %dma_wait3A_95 = arith.constant 0 : i32
    %dma_wait3A_96 = arith.constant 0 : i32
    %dma_wait3A_97 = tpu.memref_slice %arg2[%dma_wait3A_95, %dma_wait3A_96] : memref<100000x128xf32, #tpu.memory_space<hbm>> -> memref<100000x128xf32, #tpu.memory_space<hbm>>
    tpu.wait_indirect_dma semaphore(%arg12 : memref<!tpu.dma_semaphore, #tpu.memory_space<semaphore_mem>>) src(%dma_wait3A_97 : memref<100000x128xf32, #tpu.memory_space<hbm>>) dst(%dma_wait3A_91 : memref<128x128xf32, #tpu.memory_space<vmem>>)
    %dma_wait3A_98 = arith.constant 1 : i32
    %dma_wait3A_99 = arith.constant 128 : i32
    %dma_wait3A_100 = arith.constant 0 : i32
    %dma_wait3A_101 = tpu.memref_slice %arg8[%dma_wait3A_99, %dma_wait3A_100] : memref<512x128xf32, #tpu.memory_space<vmem>> -> memref<128x128xf32, #tpu.memory_space<vmem>>
    %dma_wait3A_102 = arith.constant 0 : i32
    %dma_wait3A_103 = tpu.memref_slice %arg7[%dma_wait3A_98, %dma_wait3A_102] : memref<4x128xi32, #tpu.memory_space<vmem>> -> memref<1x128xi32, #tpu.memory_space<vmem>>
    %dma_wait3A_104 = tpu.memref_squeeze %dma_wait3A_103 : memref<1x128xi32, #tpu.memory_space<vmem>> -> memref<128xi32, #tpu.memory_space<vmem>>
    %dma_wait3A_105 = arith.constant 0 : i32
    %dma_wait3A_106 = arith.constant 0 : i32
    %dma_wait3A_107 = tpu.memref_slice %arg2[%dma_wait3A_105, %dma_wait3A_106] : memref<100000x128xf32, #tpu.memory_space<hbm>> -> memref<100000x128xf32, #tpu.memory_space<hbm>>
    tpu.wait_indirect_dma semaphore(%arg12 : memref<!tpu.dma_semaphore, #tpu.memory_space<semaphore_mem>>) src(%dma_wait3A_107 : memref<100000x128xf32, #tpu.memory_space<hbm>>) dst(%dma_wait3A_101 : memref<128x128xf32, #tpu.memory_space<vmem>>)
    %dma_wait3A_108 = arith.constant 2 : i32
    %dma_wait3A_109 = arith.constant 256 : i32
    %dma_wait3A_110 = arith.constant 0 : i32
    %dma_wait3A_111 = tpu.memref_slice %arg8[%dma_wait3A_109, %dma_wait3A_110] : memref<512x128xf32, #tpu.memory_space<vmem>> -> memref<128x128xf32, #tpu.memory_space<vmem>>
    %dma_wait3A_112 = arith.constant 0 : i32
    %dma_wait3A_113 = tpu.memref_slice %arg7[%dma_wait3A_108, %dma_wait3A_112] : memref<4x128xi32, #tpu.memory_space<vmem>> -> memref<1x128xi32, #tpu.memory_space<vmem>>
    %dma_wait3A_114 = tpu.memref_squeeze %dma_wait3A_113 : memref<1x128xi32, #tpu.memory_space<vmem>> -> memref<128xi32, #tpu.memory_space<vmem>>
    %dma_wait3A_115 = arith.constant 0 : i32
    %dma_wait3A_116 = arith.constant 0 : i32
    %dma_wait3A_117 = tpu.memref_slice %arg2[%dma_wait3A_115, %dma_wait3A_116] : memref<100000x128xf32, #tpu.memory_space<hbm>> -> memref<100000x128xf32, #tpu.memory_space<hbm>>
    tpu.wait_indirect_dma semaphore(%arg12 : memref<!tpu.dma_semaphore, #tpu.memory_space<semaphore_mem>>) src(%dma_wait3A_117 : memref<100000x128xf32, #tpu.memory_space<hbm>>) dst(%dma_wait3A_111 : memref<128x128xf32, #tpu.memory_space<vmem>>)
    %dma_wait3A_118 = arith.constant 3 : i32
    %dma_wait3A_119 = arith.constant 384 : i32
    %dma_wait3A_120 = arith.constant 0 : i32
    %dma_wait3A_121 = tpu.memref_slice %arg8[%dma_wait3A_119, %dma_wait3A_120] : memref<512x128xf32, #tpu.memory_space<vmem>> -> memref<128x128xf32, #tpu.memory_space<vmem>>
    %dma_wait3A_122 = arith.constant 0 : i32
    %dma_wait3A_123 = tpu.memref_slice %arg7[%dma_wait3A_118, %dma_wait3A_122] : memref<4x128xi32, #tpu.memory_space<vmem>> -> memref<1x128xi32, #tpu.memory_space<vmem>>
    %dma_wait3A_124 = tpu.memref_squeeze %dma_wait3A_123 : memref<1x128xi32, #tpu.memory_space<vmem>> -> memref<128xi32, #tpu.memory_space<vmem>>
    %dma_wait3A_125 = arith.constant 0 : i32
    %dma_wait3A_126 = arith.constant 0 : i32
    %dma_wait3A_127 = tpu.memref_slice %arg2[%dma_wait3A_125, %dma_wait3A_126] : memref<100000x128xf32, #tpu.memory_space<hbm>> -> memref<100000x128xf32, #tpu.memory_space<hbm>>
    tpu.wait_indirect_dma semaphore(%arg12 : memref<!tpu.dma_semaphore, #tpu.memory_space<semaphore_mem>>) src(%dma_wait3A_127 : memref<100000x128xf32, #tpu.memory_space<hbm>>) dst(%dma_wait3A_121 : memref<128x128xf32, #tpu.memory_space<vmem>>)
    %scan3A_128 = arith.constant 0 : i32
    %scan3A_129 = arith.constant 32 : i32
    %scan3A_130 = arith.addi %scan3A_128, %scan3A_129 : i32
    %scan3A_131 = arith.constant 1 : i32
    scf.for %scan3A_133 = %scan3A_128 to %scan3A_130 step %scan3A_131  : i32 {
      %mul3A_134 = arith.constant 16 : i32
      %mul3A_135 = arith.muli %scan3A_133, %mul3A_134 : i32
      %add3A_136 = arith.constant 0 : i32
      %add3A_137 = arith.addi %add3A_136, %mul3A_135 : i32
      %iota3A = tpu.iota {dimensions = array<i32: 0>} : vector<16xi32>
      %add3A_138 = vector.broadcast %add3A_137 : i32 to vector<16xi32>
      %add3A_139 = arith.addi %iota3A, %add3A_138 : vector<16xi32>
      %broadcast_in_dim3A = arith.constant 124 : i32
      %broadcast_in_dim3A_140 = vector.broadcast %broadcast_in_dim3A : i32 to vector<16xi32>
      %get3A_141 = arith.constant 0 : i32
      %get3A_142 = arith.index_cast %get3A_141 : i32 to index
      %get3A_143 = arith.index_cast %add3A_137 : i32 to index
      %get3A_144 = tpu.vector_load %arg10[%get3A_142, %get3A_143] {strides = array<i32>} : memref<4x512xf32, #tpu.memory_space<vmem>>, vector<16xf32>,
      tpu.vector_store_idx %arg8[%add3A_139, %broadcast_in_dim3A_140], %get3A_144 : memref<512x128xf32, #tpu.memory_space<vmem>>[vector<16xi32>, vector<16xi32>], vector<16xf32>,
      %broadcast_in_dim3A_145 = arith.constant 125 : i32
      %broadcast_in_dim3A_146 = vector.broadcast %broadcast_in_dim3A_145 : i32 to vector<16xi32>
      %get3A_147 = arith.constant 1 : i32
      %get3A_148 = arith.index_cast %get3A_147 : i32 to index
      %get3A_149 = arith.index_cast %add3A_137 : i32 to index
      %get3A_150 = tpu.vector_load %arg10[%get3A_148, %get3A_149] {strides = array<i32>} : memref<4x512xf32, #tpu.memory_space<vmem>>, vector<16xf32>,
      tpu.vector_store_idx %arg8[%add3A_139, %broadcast_in_dim3A_146], %get3A_150 : memref<512x128xf32, #tpu.memory_space<vmem>>[vector<16xi32>, vector<16xi32>], vector<16xf32>,
      %broadcast_in_dim3A_151 = arith.constant 126 : i32
      %broadcast_in_dim3A_152 = vector.broadcast %broadcast_in_dim3A_151 : i32 to vector<16xi32>
      %get3A_153 = arith.constant 2 : i32
      %get3A_154 = arith.index_cast %get3A_153 : i32 to index
      %get3A_155 = arith.index_cast %add3A_137 : i32 to index
      %get3A_156 = tpu.vector_load %arg10[%get3A_154, %get3A_155] {strides = array<i32>} : memref<4x512xf32, #tpu.memory_space<vmem>>, vector<16xf32>,
      tpu.vector_store_idx %arg8[%add3A_139, %broadcast_in_dim3A_152], %get3A_156 : memref<512x128xf32, #tpu.memory_space<vmem>>[vector<16xi32>, vector<16xi32>], vector<16xf32>,
      %broadcast_in_dim3A_157 = arith.constant 127 : i32
      %broadcast_in_dim3A_158 = vector.broadcast %broadcast_in_dim3A_157 : i32 to vector<16xi32>
      %get3A_159 = arith.constant 3 : i32
      %get3A_160 = arith.index_cast %get3A_159 : i32 to index
      %get3A_161 = arith.index_cast %add3A_137 : i32 to index
      %get3A_162 = tpu.vector_load %arg10[%get3A_160, %get3A_161] {strides = array<i32>} : memref<4x512xf32, #tpu.memory_space<vmem>>, vector<16xf32>,
      tpu.vector_store_idx %arg8[%add3A_139, %broadcast_in_dim3A_158], %get3A_162 : memref<512x128xf32, #tpu.memory_space<vmem>>[vector<16xi32>, vector<16xi32>], vector<16xf32>,
    }
    %scan3A_132 = arith.constant 32 : i32
    "tpu.region"() ({
      %run_scoped3A = tpu.sem_alloc : memref<!tpu.dma_semaphore, #tpu.memory_space<semaphore_mem>>
      %dma_start3A_133 = arith.constant 0 : i32
      %dma_start3A_134 = tpu.memref_slice %arg6[%mul3A_2, %dma_start3A_133] : memref<16384x128xf32, #tpu.memory_space<hbm>> -> memref<512x128xf32, #tpu.memory_space<hbm>>
      %dma_start3A_135 = arith.constant 0 : i32
      %dma_start3A_136 = tpu.memref_slice %arg6[%mul3A_2, %dma_start3A_135] : memref<16384x128xf32, #tpu.memory_space<hbm>> -> memref<512x128xf32, #tpu.memory_space<hbm>>
      tpu.enqueue_dma source(%arg8 : memref<512x128xf32, #tpu.memory_space<vmem>>) target(%dma_start3A_136 : memref<512x128xf32, #tpu.memory_space<hbm>>) target_semaphore(%run_scoped3A : memref<!tpu.dma_semaphore, #tpu.memory_space<semaphore_mem>>)
      %dma_wait3A_137 = arith.constant 0 : i32
      %dma_wait3A_138 = tpu.memref_slice %arg6[%mul3A_2, %dma_wait3A_137] : memref<16384x128xf32, #tpu.memory_space<hbm>> -> memref<512x128xf32, #tpu.memory_space<hbm>>
      %dma_wait3A_139 = arith.constant 0 : i32
      %dma_wait3A_140 = tpu.memref_slice %arg6[%mul3A_2, %dma_wait3A_139] : memref<16384x128xf32, #tpu.memory_space<hbm>> -> memref<512x128xf32, #tpu.memory_space<hbm>>
      tpu.wait_dma2 semaphore(%run_scoped3A : memref<!tpu.dma_semaphore, #tpu.memory_space<semaphore_mem>>) src(%arg8 : memref<512x128xf32, #tpu.memory_space<vmem>>) dst(%dma_wait3A_140 : memref<512x128xf32, #tpu.memory_space<hbm>>)
      tpu.yield
    }) : () -> ()
    return
  }
}

</mosaic_0001>

<sc_bundles>
// kernel: kernel.3.cloned.1.call-start
scs
__scs_entry_jumppad:
0x0: {  	(pc) =	sbr.rel $0x88, $3  }
0x1: {  	(tag) =	ssettag $0x0;
	lr =	simm.s32 $0x1  }
0x2: {  	[smem:$0x3F9C] =	sst lr;
	_ =	strace $0xD0000000  }
0x3: {  	_ = 	snop  }
0x4: {  	_ = 	snop  }
0x5: {  	_ = 	snop  }
0x6: {  	_ = 	snop  }
0x7: {  	_ = 	snop  }
__scs_overlays_trampoline_lowered:
0x8: {  	[smem:$0x3FAB] =	sst s0  }
0x9: {  	[smem:$0x3FAC] =	sst s1  }
0xa: {  	[smem:$0x3FAD] =	sst s2  }
0xb: {  	[smem:$0x3FAE] =	sst s3  }
0xc: {  	[smem:$0x3FAF] =	sst s4  }
0xd: {  	[smem:$0x3FB0] =	sst s5  }
0xe: {  	[smem:$0x3FB1] =	sst s6  }
0xf: {  	[smem:$0x3FB2] =	sst s7  }
0x10: {  	[smem:$0x3FB3] =	sst s8  }
0x11: {  	[smem:$0x3FB4] =	sst s9;
	s0 =	simm.s32 @!p0 $0x0  }
0x12: {  	s1 =	sld [smem:$0x3F9A];
	s0 =	simm.s32 @p0 $0x1  }
0x13: {  	[smem:$0x3FB5] =	sst s0;
	s0 =	simm.s32 @!p1 $0x0  }
0x14: {  	s2 =	sld [smem:$0x3F99];
	s0 =	simm.s32 @p1 $0x1  }
0x15: {  	[smem:$0x3FB6] =	sst s0;
	s0 =	simm.s32 @!p2 $0x0  }
0x16: {  	s3 =	sld [smem:$0x3FDB];
	s0 =	simm.s32 @p2 $0x1  }
0x17: {  	s4 =	simm.s32 $0x1BF5;
	[smem:$0x3FB8] =	sst s0  }
0x18: {  	s0 =	sld [smem:$0x3F9B];
	_ =	swait.ge [sflag:s4], $0x0  }
0x19: {  	s7 =	sld [smem:$0x3F9C]  }
0x1a: {  	s8 =	sadd.s32 $0xFFFFE003, lr  }
0x1b: {  	s9 =	sadd.s32 $0xFFFFFEF7, lr;
	s5 =	simm.s32 $0xFFFFFFFF;
	p2 =	slt.u32 s8, $0xFFFFF086  }
0x1c: {  	p1 =	slt.u32 s9, $0xF7A;
	s5 =	simm.s32 @!p2 $0x0  }
0x1d: {  	s5 =	simm.s32 @p1 $0x1;
	p0 =	seq.s32 s7, s2  }
0x1e: {  	s7 =	smul.u32 @!p0 $0xF7A, s2;
	p2 =	seq.s32 @!p0 s5, $0x0  }
0x1f: {  	s9 =	smul.u32 $0xF7A, s1;
	s8 =	simm.s32 @!p0 $0x1BF5;
	p2 =	por !p2, p0  }
0x20: {  	[sflag:s8] =	ssyncset.s32 @!p0 $0xFFFFF086;
	s6 =	sadd.s32 @!p0 s3, s7;
	s7 =	simm.s32 @!p0 $0x108  }
0x21: {  	s3 =	sadd.s32 s3, s9;
	s6 =	sadd.s32 @!p0 $0x88, s6;
	s7 =	simm.s32 @p2 $0x1082  }
0x22: {  	[simem:s7], [sflag:s8] =	dma.local @!p0 [hbm:s6], $0xF7A  }
0x23: {  	s9 =	sor.u32 $0xD0000000, s2;
	s6 =	simm.s32 $0x108;
	_ =	swait.ge @!p0 [sflag:s8], $0x0  }
0x24: {  	s3 =	sadd.s32 $0x88, s3;
	s6 =	simm.s32 @!p1 $0x1082;
	[sflag:s4] =	ssyncset.s32 $0xFFFFF086  }
0x25: {  	[simem:s6], [sflag:s4] =	dma.local [hbm:s3], $0xF7A  }
0x26: {  	[smem:$0x3F9C] =	sst s1;
	(tag) =	ssettag s2;
	_ =	strace s9  }
0x27: {  	s1 =	sld [smem:$0x3FAC]  }
0x28: {  	s2 =	sld [smem:$0x3FAD]  }
0x29: {  	s4 =	sld [smem:$0x3FAF]  }
0x2a: {  	p0 =	seq.s32 s5, $0x0;
	s5 =	sld [smem:$0x3FB0]  }
0x2b: {  	s6 =	sld [smem:$0x3FB1]  }
0x2c: {  	s7 =	sld [smem:$0x3FB2]  }
0x2d: {  	s3 =	simm.s32 $0x108;
	s8 =	sld [smem:$0x3FB3]  }
0x2e: {  	s3 =	simm.s32 @!p0 $0x1082;
	s9 =	sld [smem:$0x3FB4]  }
0x2f: {  	lr =	sadd.s32 s0, s3;
	s0 =	sld [smem:$0x3FAB]  }
0x30: {  	s3 =	sld [smem:$0x3FAE]  }
0x31: {  	[smem:$0x3FB7] =	sst s10  }
0x32: {  	s10 =	sld [smem:$0x3FB5];
	_ =	sdelay $0x3  }
0x33: {  	p0 =	seq.s32 s10, $0x1;
	s10 =	sld [smem:$0x3FB7];
	_ =	sdelay $0x3  }
0x34: {  	[smem:$0x3FB7] =	sst s10  }
0x35: {  	s10 =	sld [smem:$0x3FB6];
	_ =	sdelay $0x3  }
0x36: {  	p1 =	seq.s32 s10, $0x1;
	s10 =	sld [smem:$0x3FB7];
	_ =	sdelay $0x3  }
0x37: {  	[smem:$0x3FB7] =	sst s10  }
0x38: {  	s10 =	sld [smem:$0x3FB8]  }
0x39: {  	_ = 	snop;
	(pc) =	sbr.ind lr, $3  }
0x3a: {  	_ = 	snop  }
0x3b: {  	_ = 	snop  }
0x3c: {  	p2 =	seq.s32 s10, $0x1;
	s10 =	sld [smem:$0x3FB7]  }
0x3d: {  	_ =	shalt  }
0x3e: {  	_ =	shalt  }
0x3f: {  	_ =	shalt  }
0x40: {  	_ =	shalt  }
0x41: {  	_ =	shalt  }
0x42: {  	_ =	shalt  }
0x43: {  	_ =	shalt  }
0x44: {  	_ =	shalt  }
0x45: {  	_ =	shalt  }
0x46: {  	_ =	shalt  }
0x47: {  	_ =	shalt  }
0x48: {  	_ =	shalt  }
0x49: {  	_ =	shalt  }
0x4a: {  	_ =	shalt  }
0x4b: {  	_ =	shalt  }
0x4c: {  	_ =	shalt  }
0x4d: {  	_ =	shalt  }
0x4e: {  	_ =	shalt  }
0x4f: {  	_ =	shalt  }
0x50: {  	_ =	shalt  }
0x51: {  	_ =	shalt  }
0x52: {  	_ =	shalt  }
0x53: {  	_ =	shalt  }
0x54: {  	_ =	shalt  }
0x55: {  	_ =	shalt  }
0x56: {  	_ =	shalt  }
0x57: {  	_ =	shalt  }
0x58: {  	_ =	shalt  }
0x59: {  	_ =	shalt  }
0x5a: {  	_ =	shalt  }
0x5b: {  	_ =	shalt  }
0x5c: {  	_ =	shalt  }
0x5d: {  	_ =	shalt  }
0x5e: {  	_ =	shalt  }
0x5f: {  	_ =	shalt  }
0x60: {  	_ =	shalt  }
0x61: {  	_ =	shalt  }
0x62: {  	_ =	shalt  }
0x63: {  	_ =	shalt  }
0x64: {  	_ =	shalt  }
0x65: {  	_ =	shalt  }
0x66: {  	_ =	shalt  }
0x67: {  	_ =	shalt  }
0x68: {  	_ =	shalt  }
0x69: {  	_ =	shalt  }
0x6a: {  	_ =	shalt  }
0x6b: {  	_ =	shalt  }
0x6c: {  	_ =	shalt  }
0x6d: {  	_ =	shalt  }
0x6e: {  	_ =	shalt  }
0x6f: {  	_ =	shalt  }
0x70: {  	_ =	shalt  }
0x71: {  	_ =	shalt  }
0x72: {  	_ =	shalt  }
0x73: {  	_ =	shalt  }
0x74: {  	_ =	shalt  }
0x75: {  	_ =	shalt  }
0x76: {  	_ =	shalt  }
0x77: {  	_ =	shalt  }
0x78: {  	_ =	shalt  }
0x79: {  	_ =	shalt  }
0x7a: {  	_ =	shalt  }
0x7b: {  	_ =	shalt  }
0x7c: {  	_ =	shalt  }
0x7d: {  	_ =	shalt  }
0x7e: {  	_ =	shalt  }
0x7f: {  	_ =	shalt  }
0x80: {  	_ =	shalt  }
0x81: {  	_ =	shalt  }
0x82: {  	_ =	shalt  }
0x83: {  	_ =	shalt  }
0x84: {  	_ =	shalt  }
0x85: {  	_ =	shalt  }
0x86: {  	_ =	shalt  }
0x87: {  	_ =	shalt  }
.Lfunc_end0:
.L_simem_size_0:
called_computation_lowered:
.L_overlay_start_0:
0x88: {  	s2 =	sld [smem:$0x3FD9]  }
0x89: {  	s3 =	sld [smem:$0x3FFE];
	_ =	sdelay $0x1  }
0x8a: {  	s1 =	srdreg.scid  }
0x8b: {  	s0 =	sand.u32 $0x1, s1  }
0x8c: {  	s17 =	sshll.u32 s0, $0xA;
	s2 =	sadd.s32 s3, s2  }
0x8d: {  	s2 =	sadd.s32 s2, s17  }
0x8e: {  	[smem:$0x3FC3] =	sst s2  }
0x8f: {  	_ = 	snop  }
0x90: {  	s2 =	sld [smem:$0x3FC9]  }
0x91: {  	s18 =	sld [smem:$0x3FD0];
	(tm) =	ssettm $0x1  }
0x92: {  	s4 =	sld [smem:$0x3FFB];
	_ =	sdelay $0x3  }
0x93: {  	_ =	strace s4  }
0x94: {  	s4 =	sld [smem:$0x3FFC];
	_ =	sdelay $0x3  }
0x95: {  	_ =	strace s4  }
0x96: {  	s4 =	sld [smem:$0x3FFD];
	_ =	sdelay $0x3  }
0x97: {  	_ =	strace s4  }
0x98: {  	_ =	strace $0x8FFFFFFF  }
0x99: {  	s19 =	sld [smem:$0x3FDB];
	_ =	sdelay $0x1  }
0x9a: {  	s5 =	simm.s32 $_scs_section_size  }
0x9b: {  	s6 =	simm.s32 $_size__tile_overlayer_lowered;
	s7 =	simm.s32 $_tile_overlayer_lowered  }
0x9c: {  	s22 =	simm.s32 $0x1BFF;
	s21 =	sshll.u32 s7, $0x1;
	s4 =	sadd.s32 s5, s19  }
0x9d: {  	s8 =	simm.s32 $0x0;
	s20 =	sshll.u32 s6, $0x1;
	s6 =	sadd.s32 s21, s4  }
0x9e: {  	[timem:s8], [sflag:s22] =	dma.local [hbm:s6], s20  }
0x9f: {  	_ =	swait.ge [sflag:s22], s20  }
0xa0: {  	s5 =	ssub.s32 $0x0, s20;
	[sflag:s22] =	ssyncset.done $0x0  }
0xa1: {  	[sflag:s22] =	ssyncadd.s32 s5;
	_ =	sdelay $0x1  }
0xa2: {  	s23 =	simm.s32 $0x1B8B  }
0xa3: {  	_ =	swait.ge [sflag:s23], $0x1  }
0xa4: {  	[sflag:s23] =	ssyncset.done $0x0  }
0xa5: {  	s25 =	simm.s32 $0x1B8E;
	s24 =	sld [smem:$0x3FFE];
	[sflag:s23] =	ssyncadd.s32 $0xFFFFFFFF  }
0xa6: {  	s26 =	simm.s32 $execute0_lowered;
	[smem:$0x3FD2] =	sst s25  }
0xa7: {  	s6 =	sshll.u32 s26, $0x1;
	_ =	strace $0x80000046;
	[dreg:$0x1] =	wrdreg $0xFFFFFFFF  }
0xa8: {  	s28 =	simm.s32 $_size_execute0_lowered;
	s4 =	sadd.s32 s4, s6;
	[dreg:$0x0] =	wrdreg $0x0  }
0xa9: {  	s6 =	sshll.u32 s28, $0x1;
	[dreg:$0x2] =	wrdreg s4  }
0xaa: {  	[dreg:$0x3] =	wrdreg s6  }
0xab: {  	[dreg:$0x4] =	wrdreg $0xC0  }
0xac: {  	_ =	task [dreg:s8], $0x5FFFF  }
0xad: {  	[dreg:$0x1] =	wrdreg $0xFFFFFFFF  }
0xae: {  	[dreg:$0x0] =	wrdreg $0x60  }
0xaf: {  	[dreg:$0x2] =	wrdreg s24  }
0xb0: {  	[dreg:$0x3] =	wrdreg s2  }
0xb1: {  	[dreg:$0x4] =	wrdreg s18  }
0xb2: {  	[dreg:$0x5] =	wrdreg $0x9  }
0xb3: {  	_ =	task.clear_ibuf [dreg:s8], $0x6FFFF;
	_ =	strace $0x90000046  }
0xb4: {  	s29 =	simm.s32 $0x9;
	_ =	strace $0x80000048  }
0xb5: {  	_ =	swait.ge [sflag:s29], $0x1  }
0xb6: {  	[sflag:s29] =	ssyncadd.s32 $0xFFFFFFFF  }
0xb7: {  	_ =	strace $0x90000048  }
0xb8: {  	_ =	sfence  }
0xb9: {  	s30 =	sld [smem:$0x0];
	_ =	sdelay $0x2  }
0xba: {  	s31 =	sshll.u32 s1, $0xD;
	s1 =	sshrl.u32 s1, $0x2  }
0xbb: {  	s3 =	sand.u32 $0x4000, s31;
	s1 =	sadd.s32 s1, s30  }
0xbc: {  	s0 =	sor.u32 s3, s0;
	s1 =	sshll.u32 s1, $0x11  }
0xbd: {  	s0 =	sor.u32 s1, s0  }
0xbe: {  	s0 =	sadd.s32 $0x8F2B, s0  }
0xbf: {  	[sflag:s0] =	ssyncadd.remote.s32 $0x1  }
0xc0: {  	_ =	sfence.sel $0xFFFF  }
0xc1: {  	[dreg:$0x0] =	wrdreg $0xFFFFFFFF;
	(pc) =	sbr.abs _section_cstart, $3  }
0xc2: {  	[dreg:$0x1] =	wrdreg $0xFFFFFFFF  }
0xc3: {  	_ =	task.clear_ibuf [dreg:s8], $0x2FFFF;
	_ =	strace $0x9FFFFFFF  }
0xc4: {  	(tm) =	ssettm $0x7FFFFFFF  }
0xc5: {  	_ =	shalt  }
tec
execute0_lowered:
.L_overlay_start_1:
0x0: {  	(tag) =	ssettag $0x1  }
0x1: {  	s4 =	rddreg [dreg:$0x0]  }
0x2: {  	s5 =	rddreg [dreg:$0x1]  }
0x3: {  	s7 =	rddreg [dreg:$0x2]  }
0x4: {  	s0 =	rddreg [dreg:$0x3]  }
0x5: {  	s2 =	simm.s32 $0x0;
	s3 =	srdreg.scid;
	s1 =	stileid.u32  }
0x6: {  	s12 =	simm.s32 $0x4200;
	s13 =	simm.s32 $0x100;
	s14 =	simm.s32 $0x8200  }
0x7: {  	s15 =	simm.s32 $0x180;
	s16 =	simm.s32 $0xC200;
	s17 =	simm.s32 $0x11200  }
0x8: {  	s18 =	simm.s32 $0x4000;
	s19 =	simm.s32 $0x10200;
	s20 =	simm.s32 $0x1  }
0x9: {  	[smem:$0x7FF] =	sst s2;
	s3 =	sand.u32 $0x1, s3;
	s6 =	sshll.u32 s1, $0x1  }
0xa: {  	s21 =	simm.s32 $0x0;
	_ =	strace $0x80000047;
	s8 =	sor.u32 s3, s6  }
0xb: {  	s31 =	ssub.s32 $0x2, s3;
	s3 =	sadd.s32 $0x2600, s4;
	s9 =	sshll.u32 s8, $0x6  }
0xc: {  	s10 =	sshrl.u32 s31, $0x1;
	s8 =	sshll.u32 s8, $0xD;
	s11 =	sadd.s32 s9, s4  }
0xd: {  	s4 =	sadd.s32 $0x189000, s4;
	s10 =	ssub.s32 s31, s10;
	s5 =	sadd.s32 s5, s9  }
0xe: {  	v0 =	vlaneseq.u32;
	s7 =	sadd.s32 s7, s8;
	s9 =	simm.s32 $0x2;
	s6 =	sadd.s32 $0x600, s11  }
0xf: {  	v0 =	vmul.u32 $0x80, v0;
	s8 =	smax.u32 s10, $0x1;
	s10 =	simm.s32 $0x80;
	s11 =	simm.s32 $0x200  }
.LBB2_1:
0x10: {  	[tilespmem:s2], [sflag:$0x2] =	stream.linear.gather [hbm4b:s5+s2], $0x200, $0x38;
	[tilespmem:$0x11220] =	vst v63  }
0x11: {  	_ =	swait.ge [sflag:s9], $0x200  }
0x12: {  	[sflag:s9] =	ssyncset.done $0x0  }
0x13: {  	[sflag:s9] =	ssyncadd.s32 $0xFFFFFE00  }
0x14: {  	[tilespmem:s11], [sflag:$0x1] =	stream.indirect.gather [hbm4b:s3+s10], $0x80, s2, s10, $0xb8;
	[tilespmem:$0x11220] =	vst v63  }
0x15: {  	_ = 	snop  }
0x16: {  	[tilespmem:s12], [sflag:$0x1] =	stream.indirect.gather [hbm4b:s3+s10], $0x80, s10, s10, $0xb8;
	[tilespmem:$0x11220] =	vst v63  }
0x17: {  	_ = 	snop  }
0x18: {  	[tilespmem:s14], [sflag:$0x1] =	stream.indirect.gather [hbm4b:s3+s10], $0x80, s13, s10, $0xb8;
	[tilespmem:$0x11220] =	vst v63  }
0x19: {  	_ = 	snop  }
0x1a: {  	[tilespmem:s16], [sflag:$0x1] =	stream.indirect.gather [hbm4b:s3+s10], $0x80, s15, s10, $0xb8;
	[tilespmem:$0x11220] =	vst v63  }
0x1b: {  	_ = 	snop  }
0x1c: {  	[tilespmem:s17], [sflag:$0x2] =	stream.linear.gather [hbm4b:s4+s2], $0x20, $0x38;
	[tilespmem:$0x11220] =	vst v63  }
0x1d: {  	_ =	swait.ge [sflag:s9], $0x20  }
0x1e: {  	[sflag:s9] =	ssyncset.done $0x0  }
0x1f: {  	[sflag:s9] =	ssyncadd.s32 $0xFFFFFFE0  }
0x20: {  	[tilespmem:s19], [sflag:$0x2] =	stream.strided.gather [hbm4b:s6+s11], $0x800, s18, s11, $0x38;
	[tilespmem:$0x11220] =	vst v63  }
0x21: {  	_ =	swait.ge [sflag:s9], $0x800  }
0x22: {  	[sflag:s9] =	ssyncset.done $0x0  }
0x23: {  	[sflag:s9] =	ssyncadd.s32 $0xFFFFF800  }
0x24: {  	v2 =	vld [tilespmem:$0x11200]  }
0x25: {  	v11 =	vld [tilespmem:$0x11210];
	_ =	sdelay $0x3  }
0x26: {  	s24 =	simm.s32 $0x0  }
0x27: {  	v32 =	vld [tilespmem:s24+$0x10200];
	v10 =	vbroadcast v2, $0x0;
	v5 =	vbroadcast v11, $0x0  }
0x28: {  	v6 =	vbroadcast v2, $0x1;
	v3 =	vbroadcast v2, $0x2  }
0x29: {  	v33 =	vld [tilespmem:s24+$0x10400];
	v1 =	vbroadcast v2, $0x3;
	v13 =	vbroadcast v2, $0x4  }
0x2a: {  	v9 =	vbroadcast v11, $0x1;
	v23 =	vbroadcast v2, $0xC  }
0x2b: {  	v24 =	vld [tilespmem:s24+$0x10600];
	v8 =	vbroadcast v2, $0x5;
	v18 =	vbroadcast v11, $0x3  }
0x2c: {  	v20 =	vbroadcast v2, $0xD;
	v12 =	vmul.f32 v32, v23  }
0x2d: {  	v25 =	vld [tilespmem:s24+$0x10800];
	v7 =	vbroadcast v2, $0x6;
	v4 =	vbroadcast v2, $0x7  }
0x2e: {  	v21 =	vbroadcast v2, $0xE;
	v14 =	vmul.f32 v33, v20;
	v12 =	vadd.f32 v12, v18  }
0x2f: {  	v17 =	vbroadcast v2, $0x8;
	v15 =	vbroadcast v11, $0x2  }
0x30: {  	v19 =	vbroadcast v2, $0xF;
	v11 =	vadd.f32 v14, v12;
	v12 =	vmul.f32 v24, v21  }
0x31: {  	v16 =	vbroadcast v2, $0x9;
	v22 =	vmul.f32 v32, v10  }
0x32: {  	v26 =	vmul.f32 v25, v19;
	v27 =	vmul.f32 v32, v17;
	v12 =	vadd.f32 v12, v11  }
0x33: {  	v29 =	vmul.f32 v33, v16;
	v14 =	vbroadcast v2, $0xA  }
0x34: {  	v11 =	vbroadcast v2, $0xB;
	v2 =	vmul.f32 v32, v13;
	v12 =	vadd.f32 v26, v12  }
0x35: {  	v22 =	vadd.f32 v22, v5;
	v27 =	vadd.f32 v27, v15;
	v26 =	vmul.f32 v33, v6  }
0x36: {  	v28 =	vmul.f32 v33, v8;
	v2 =	vadd.f32 v2, v9;
	v12 =	vadd.f32 v12, v12  }
0x37: {  	v27 =	vadd.f32 v29, v27;
	v22 =	vadd.f32 v26, v22;
	v26 =	vmul.f32 v24, v3  }
0x38: {  	v2 =	vadd.f32 v28, v2;
	v28 =	vmul.f32 v24, v7;
	v12 =	vmul.f32 $1.442695020e+00, v12  }
0x39: {  	v29 =	vmul.f32 v24, v14;
	v22 =	vadd.f32 v26, v22;
	v26 =	vmul.f32 v25, v1  }
0x3a: {  	v30 =	vmul.f32 v25, v4;
	v2 =	vadd.f32 v28, v2;
	(erf) = vpow2.f32 v12  }
0x3b: {  	v12 =	vmul.f32 v25, v11;
	v22 =	vadd.f32 v26, v22;
	v26 =	vadd.f32 v29, v27  }
0x3c: {  	s22 =	simm.s32 $0x10;
	v2 =	vadd.f32 v30, v2  }
0x3d: {  	v22 =	vadd.f32 v22, v22;
	v26 =	vadd.f32 v12, v26;
	v12 =	vld [tilespmem:s22+$0x10200];
	_ =	sdelay $0x1  }
0x3e: {  	v2 =	vadd.f32 v2, v2;
	v27 =	vmul.f32 $1.442695020e+00, v22;
	v22 =	vld [tilespmem:s22+$0x10400];
	_ =	sdelay $0x1  }
0x3f: {  	v26 =	vadd.f32 v26, v26;
	v28 =	vmul.f32 $1.442695020e+00, v2;
	v2 =	vld [tilespmem:s22+$0x10600]  }
0x40: {  	(erf) = vpow2.f32 v27;
	v27 =	vmul.f32 v12, v23  }
0x41: {  	v26 =	vmul.f32 $1.442695020e+00, v26;
	(erf) = vpow2.f32 v28  }
0x42: {  	v28 =	vld [tilespmem:s22+$0x10800];
	v31 =	vmul.f32 v12, v13;
	v29 =	vpop (erf);
	v27 =	vadd.f32 v27, v18;
	v30 =	vmul.f32 v22, v20  }
0x43: {  	(erf) = vpow2.f32 v26;
	v26 =	vmul.f32 v12, v10;
	v29 =	vadd.f32 $1.000000000e+00, v29  }
0x44: {  	v34 =	vmul.f32 v12, v17;
	v27 =	vadd.f32 v30, v27;
	v30 =	vmul.f32 v2, v21  }
0x45: {  	v26 =	vadd.f32 v26, v5;
	(erf) = vrcp.f32 v29;
	v29 =	vmul.f32 v22, v6  }
0x46: {  	v31 =	vadd.f32 v31, v9;
	v35 =	vmul.f32 v22, v8;
	v27 =	vadd.f32 v30, v27  }
0x47: {  	v30 =	vmul.f32 v28, v19;
	v26 =	vadd.f32 v29, v26;
	v29 =	vmul.f32 v2, v3  }
0x48: {  	v34 =	vadd.f32 v34, v15;
	v36 =	vmul.f32 v22, v16;
	v58 =	vmul.f32 v2, v14  }
0x49: {  	v27 =	vadd.f32 v30, v27;
	v26 =	vadd.f32 v29, v26;
	v29 =	vmul.f32 v28, v1  }
0x4a: {  	v31 =	vadd.f32 v35, v31;
	v34 =	vadd.f32 v36, v34;
	v30 =	vmul.f32 v2, v7  }
0x4b: {  	v38 =	vmul.f32 v28, v4;
	v57 =	vpop (erf);
	v27 =	vadd.f32 v27, v27  }
0x4c: {  	v34 =	vadd.f32 v58, v34;
	v37 =	vpop (erf);
	v30 =	vadd.f32 v30, v31;
	v31 =	vmul.f32 v28, v11  }
0x4d: {  	v26 =	vadd.f32 v29, v26;
	v27 =	vmul.f32 $1.442695020e+00, v27;
	v29 =	vpop (erf)  }
0x4e: {  	v30 =	vadd.f32 v38, v30;
	v31 =	vadd.f32 v31, v34;
	v59 =	vpop (erf)  }
0x4f: {  	v26 =	vadd.f32 v26, v26;
	(erf) = vpow2.f32 v27;
	v27 =	vadd.f32 v59, v59  }
0x50: {  	s23 =	simm.s32 $0x20;
	v30 =	vadd.f32 v30, v30  }
0x51: {  	v31 =	vadd.f32 v31, v31;
	v60 =	vmul.f32 $1.442695020e+00, v26;
	v26 =	vld [tilespmem:s23+$0x10200];
	v27 =	vsub.f32 $1.000000000e+00, v27  }
0x52: {  	v30 =	vmul.f32 $1.442695020e+00, v30  }
0x53: {  	v31 =	vmul.f32 $1.442695020e+00, v31;
	(erf) = vpow2.f32 v60;
	v25 =	vadd.f32 v27, v25  }
0x54: {  	v61 =	vadd.f32 $1.000000000e+00, v57;
	(erf) = vpow2.f32 v30;
	v27 =	vld [tilespmem:s23+$0x10400]  }
0x55: {  	v30 =	vadd.f32 $1.000000000e+00, v37;
	(erf) = vpow2.f32 v31;
	[tilespmem:s24+$0x11000] =	vst v25  }
0x56: {  	(erf) = vrcp.f32 v61;
	v62 =	vmul.f32 v26, v10;
	v25 =	vld [tilespmem:s23+$0x10600]  }
0x57: {  	(erf) = vrcp.f32 v30;
	v30 =	vmul.f32 v26, v23  }
0x58: {  	v29 =	vadd.f32 $1.000000000e+00, v29;
	v63 =	vmul.f32 v26, v13;
	v44 =	vmul.f32 v26, v17;
	v31 =	vld [tilespmem:s23+$0x10800];
	v42 =	vpop (erf)  }
0x59: {  	v30 =	vadd.f32 v30, v18;
	v43 =	vmul.f32 v27, v20;
	v36 =	vadd.f32 $1.000000000e+00, v42  }
0x5a: {  	v34 =	vadd.f32 v62, v5;
	v35 =	vadd.f32 v63, v9;
	v39 =	vmul.f32 v27, v6  }
0x5b: {  	v30 =	vadd.f32 v43, v30;
	(erf) = vrcp.f32 v36;
	v45 =	vmul.f32 v25, v21  }
0x5c: {  	v38 =	vadd.f32 v44, v15;
	v46 =	vmul.f32 v27, v8;
	v40 =	vmul.f32 v27, v16  }
0x5d: {  	v34 =	vadd.f32 v39, v34;
	v47 =	vmul.f32 v31, v19;
	v30 =	vadd.f32 v45, v30  }
0x5e: {  	v35 =	vadd.f32 v46, v35;
	v38 =	vadd.f32 v40, v38;
	v48 =	vmul.f32 v25, v3  }
0x5f: {  	v49 =	vpop (erf);
	v50 =	vmul.f32 v25, v7;
	v41 =	vmul.f32 v25, v14;
	v30 =	vadd.f32 v47, v30  }
0x60: {  	v51 =	vpop (erf);
	v52 =	vmul.f32 v31, v1;
	v43 =	vmul.f32 v31, v4;
	v34 =	vadd.f32 v48, v34  }
0x61: {  	v44 =	vmul.f32 v31, v11;
	v42 =	vpop (erf);
	v35 =	vadd.f32 v50, v35;
	v30 =	vadd.f32 v30, v30  }
0x62: {  	(erf) = vrcp.f32 v29;
	v53 =	vpop (erf);
	v38 =	vadd.f32 v41, v38;
	v34 =	vadd.f32 v52, v34  }
0x63: {  	v54 =	vpop (erf);
	v29 =	vadd.f32 v43, v35;
	v30 =	vmul.f32 $1.442695020e+00, v30  }
0x64: {  	v55 =	vadd.f32 v44, v38;
	v34 =	vadd.f32 v34, v34;
	v56 =	vpop (erf)  }
0x65: {  	v29 =	vadd.f32 v29, v29;
	(erf) = vpow2.f32 v30;
	v30 =	vadd.f32 v56, v56  }
0x66: {  	v35 =	vadd.f32 v55, v55;
	v34 =	vmul.f32 $1.442695020e+00, v34  }
0x67: {  	s25 =	simm.s32 $0x30;
	v36 =	vadd.f32 $1.000000000e+00, v49;
	v29 =	vmul.f32 $1.442695020e+00, v29;
	v38 =	vsub.f32 $1.000000000e+00, v30  }
0x68: {  	v58 =	vadd.f32 v54, v54;
	v35 =	vmul.f32 $1.442695020e+00, v35;
	(erf) = vpow2.f32 v34;
	v30 =	vld [tilespmem:s25+$0x10200]  }
0x69: {  	v57 =	vadd.f32 v53, v53;
	(erf) = vpow2.f32 v29;
	v28 =	vadd.f32 v38, v28  }
0x6a: {  	v37 =	vadd.f32 $1.000000000e+00, v51;
	v59 =	vsub.f32 $1.000000000e+00, v58;
	v29 =	vld [tilespmem:s25+$0x10400];
	(erf) = vpow2.f32 v35  }
0x6b: {  	v39 =	vadd.f32 $1.000000000e+00, v42;
	v60 =	vpop (erf);
	v34 =	vsub.f32 $1.000000000e+00, v57;
	(erf) = vrcp.f32 v36;
	[tilespmem:s22+$0x11000] =	vst v28  }
0x6c: {  	v42 =	vadd.f32 v59, v33;
	v36 =	vadd.f32 v60, v60;
	(erf) = vrcp.f32 v37;
	v28 =	vld [tilespmem:s25+$0x10600]  }
0x6d: {  	v34 =	vadd.f32 v34, v32;
	v61 =	vmul.f32 v30, v10;
	v62 =	vmul.f32 v30, v23  }
0x6e: {  	v36 =	vsub.f32 $1.000000000e+00, v36;
	v32 =	vld [tilespmem:s25+$0x10800];
	v63 =	vmul.f32 v30, v13;
	v45 =	vmul.f32 v30, v17;
	v46 =	vpop (erf)  }
0x6f: {  	v47 =	vmul.f32 v29, v20;
	v38 =	vadd.f32 v62, v18;
	v40 =	vadd.f32 $1.000000000e+00, v46  }
0x70: {  	v48 =	vmul.f32 v29, v6;
	v50 =	vmul.f32 v29, v8;
	v33 =	vadd.f32 v63, v9  }
0x71: {  	v38 =	vadd.f32 v47, v38;
	v49 =	vmul.f32 v28, v21;
	(erf) = vrcp.f32 v40  }
0x72: {  	v51 =	vmul.f32 v29, v16;
	v37 =	vadd.f32 v61, v5;
	v35 =	vadd.f32 v45, v15  }
0x73: {  	v33 =	vadd.f32 v50, v33;
	v52 =	vmul.f32 v32, v19;
	v38 =	vadd.f32 v49, v38  }
0x74: {  	v54 =	vpop (erf);
	v37 =	vadd.f32 v48, v37;
	v35 =	vadd.f32 v51, v35;
	v53 =	vmul.f32 v28, v3  }
0x75: {  	v45 =	vpop (erf);
	v55 =	vmul.f32 v28, v7;
	v56 =	vmul.f32 v28, v14;
	v38 =	vadd.f32 v52, v38  }
0x76: {  	v57 =	vmul.f32 v32, v1;
	v46 =	vpop (erf);
	v47 =	vmul.f32 v32, v4;
	v37 =	vadd.f32 v53, v37  }
0x77: {  	v58 =	vmul.f32 v32, v11;
	v44 =	vadd.f32 v55, v33;
	v33 =	vpop (erf);
	v38 =	vadd.f32 v38, v38  }
0x78: {  	v41 =	vadd.f32 v56, v35;
	v37 =	vadd.f32 v57, v37;
	v35 =	vpop (erf);
	(erf) = vrcp.f32 v39  }
0x79: {  	[tilespmem:s24+$0x10A00] =	vst v34;
	v34 =	vadd.f32 $1.000000000e+00, v46;
	v44 =	vadd.f32 v47, v44;
	v59 =	vmul.f32 $1.442695020e+00, v38  }
0x7a: {  	v60 =	vadd.f32 v58, v41;
	v37 =	vadd.f32 v37, v37;
	v61 =	vpop (erf)  }
0x7b: {  	v62 =	vadd.f32 v44, v44;
	(erf) = vpow2.f32 v59;
	v63 =	vadd.f32 v61, v61  }
0x7c: {  	v39 =	vadd.f32 $1.000000000e+00, v45;
	v41 =	vadd.f32 v60, v60;
	v40 =	vmul.f32 $1.442695020e+00, v37  }
0x7d: {  	s26 =	simm.s32 $0x40;
	s28 =	simm.s32 $0x140;
	[tilespmem:s24+$0x10C00] =	vst v42;
	v38 =	vadd.f32 $1.000000000e+00, v54;
	v42 =	vmul.f32 $1.442695020e+00, v62;
	v43 =	vsub.f32 $1.000000000e+00, v63  }
.LBB2_2:
0x7e: {  	p0 =	sne.s32 s28, $0x7C0;
	v37 =	vld [tilespmem:s26+$0x10200];
	v41 =	vmul.f32 $1.442695020e+00, v41;
	(erf) = vpow2.f32 v40;
	v33 =	vadd.f32 v33, v33  }
0x7f: {  	v35 =	vadd.f32 v35, v35;
	(erf) = vpow2.f32 v42;
	v40 =	vadd.f32 v43, v31;
	v31 =	vmovc v32  }
0x80: {  	v42 =	vld [tilespmem:s26+$0x10400];
	(erf) = vpow2.f32 v41;
	v32 =	vsub.f32 $1.000000000e+00, v33;
	v33 =	vadd.f32 v36, v24;
	v24 =	vmovc v2;
	v2 =	vmovc v25  }
0x81: {  	v35 =	vsub.f32 $1.000000000e+00, v35;
	v25 =	vmov v28;
	[tilespmem:s23+$0x11000] =	vst v40;
	(erf) = vrcp.f32 v38;
	v36 =	vpop (erf)  }
0x82: {  	v28 =	vld [tilespmem:s26+$0x10600];
	(erf) = vrcp.f32 v39;
	v38 =	vadd.f32 v32, v12;
	v36 =	vadd.f32 v36, v36;
	[tilespmem:s24+$0x10E00] =	vst v33;
	v12 =	vmovc v26;
	s24 =	smov.u32 s22;
	s22 =	smov.u32 s23;
	s23 =	smov.u32 s25  }
0x83: {  	v43 =	vadd.f32 v35, v22;
	v26 =	vmovc v30;
	s25 =	smov.u32 s26;
	v33 =	vmul.f32 v37, v10;
	v39 =	vmul.f32 v37, v23  }
0x84: {  	v35 =	vmul.f32 v37, v13;
	v40 =	vmul.f32 v37, v17;
	v32 =	vld [tilespmem:s25+$0x10800];
	v30 =	vpop (erf);
	[tilespmem:s24+$0x10A00] =	vst v38;
	v36 =	vsub.f32 $1.000000000e+00, v36  }
0x85: {  	v38 =	vadd.f32 v39, v18;
	v45 =	vmul.f32 v42, v20;
	v41 =	vadd.f32 $1.000000000e+00, v30;
	[tilespmem:s24+$0x10C00] =	vst v43;
	v30 =	vmovc v37  }
0x86: {  	v22 =	vmovc v27;
	v33 =	vadd.f32 v33, v5;
	v37 =	vmul.f32 v42, v6;
	v35 =	vadd.f32 v35, v9  }
0x87: {  	v27 =	vadd.f32 v45, v38;
	v38 =	vmul.f32 v28, v21;
	v39 =	vpop (erf);
	(erf) = vrcp.f32 v41  }
0x88: {  	v40 =	vadd.f32 v40, v15;
	v43 =	vmul.f32 v42, v16;
	v41 =	vmul.f32 v42, v8;
	v44 =	vpop (erf)  }
0x89: {  	v37 =	vadd.f32 v37, v33;
	v49 =	vadd.f32 v38, v27;
	v38 =	vmul.f32 v32, v19;
	v45 =	vpop (erf)  }
0x8a: {  	v46 =	vmul.f32 v28, v3;
	v40 =	vadd.f32 v43, v40;
	v41 =	vadd.f32 v41, v35;
	v33 =	vpop (erf)  }
0x8b: {  	v43 =	vmul.f32 v28, v7;
	v47 =	vmul.f32 v28, v14;
	v38 =	vadd.f32 v38, v49;
	v35 =	vpop (erf)  }
0x8c: {  	v37 =	vadd.f32 v46, v37;
	v46 =	vmul.f32 v32, v1;
	v48 =	vmul.f32 v32, v4;
	v27 =	vmovc v29  }
0x8d: {  	v41 =	vadd.f32 v43, v41;
	v43 =	vmul.f32 v32, v11;
	v29 =	vmovc v42;
	v38 =	vadd.f32 v38, v38  }
0x8e: {  	v37 =	vadd.f32 v46, v37;
	v42 =	vadd.f32 v47, v40;
	(erf) = vrcp.f32 v34  }
.Ltmp0:
0x8f: {  	v34 =	vadd.f32 v48, v41;
	v41 =	vmul.f32 $1.442695020e+00, v38;
	v38 =	vadd.f32 $1.000000000e+00, v39;
	(pc) =	sbr.rel @p0 .LBB2_2-.Ltmp0, $4  }
0x90: {  	v37 =	vadd.f32 v37, v37;
	v39 =	vadd.f32 v43, v42;
	v40 =	vpop (erf)  }
0x91: {  	v34 =	vadd.f32 v34, v34;
	(erf) = vpow2.f32 v41;
	v43 =	vadd.f32 v40, v40  }
0x92: {  	v40 =	vmul.f32 $1.442695020e+00, v37;
	v41 =	vadd.f32 v39, v39;
	v39 =	vadd.f32 $1.000000000e+00, v44  }
0x93: {  	s26 =	sshra.s32 s28, $0x2;
	s28 =	sadd.s32 $0x40, s28;
	v42 =	vmul.f32 $1.442695020e+00, v34;
	v34 =	vadd.f32 $1.000000000e+00, v45;
	v43 =	vsub.f32 $1.000000000e+00, v43  }
0x94: {  	v37 =	vld [tilespmem:s26+$0x10200]  }
0x95: {  	v43 =	vadd.f32 v43, v31  }
0x96: {  	v36 =	vadd.f32 v36, v24;
	v62 =	vmul.f32 $1.442695020e+00, v41;
	(erf) = vpow2.f32 v40;
	v31 =	vld [tilespmem:s26+$0x10400]  }
0x97: {  	(erf) = vpow2.f32 v42;
	[tilespmem:s23+$0x11000] =	vst v43  }
0x98: {  	(erf) = vpow2.f32 v62;
	v24 =	vld [tilespmem:s26+$0x10600]  }
0x99: {  	(erf) = vrcp.f32 v38;
	[tilespmem:s24+$0x10E00] =	vst v36;
	v23 =	vmul.f32 v37, v23  }
0x9a: {  	v36 =	vpop (erf);
	(erf) = vrcp.f32 v39;
	v40 =	vld [tilespmem:s26+$0x10800]  }
0x9b: {  	v10 =	vmul.f32 v37, v10;
	v20 =	vmul.f32 v31, v20;
	v18 =	vadd.f32 v23, v18  }
0x9c: {  	v13 =	vmul.f32 v37, v13;
	v17 =	vmul.f32 v37, v17  }
0x9d: {  	v6 =	vmul.f32 v31, v6;
	v18 =	vadd.f32 v20, v18;
	v63 =	vmul.f32 v24, v21  }
0x9e: {  	v8 =	vmul.f32 v31, v8;
	v43 =	vmul.f32 v31, v16;
	v5 =	vadd.f32 v10, v5  }
0x9f: {  	v38 =	vpop (erf);
	v9 =	vadd.f32 v13, v9;
	v19 =	vmul.f32 v40, v19;
	v18 =	vadd.f32 v63, v18  }
0xa0: {  	v39 =	vadd.f32 $1.000000000e+00, v38;
	v5 =	vadd.f32 v6, v5;
	v3 =	vmul.f32 v24, v3  }
0xa1: {  	v8 =	vadd.f32 v8, v9;
	v7 =	vmul.f32 v24, v7;
	v41 =	vadd.f32 v19, v18  }
0xa2: {  	v42 =	vadd.f32 v17, v15;
	(erf) = vrcp.f32 v39;
	v3 =	vadd.f32 v3, v5  }
0xa3: {  	v1 =	vmul.f32 v40, v1;
	v5 =	vadd.f32 v7, v8;
	v44 =	vadd.f32 v41, v41  }
0xa4: {  	v45 =	vadd.f32 v43, v42;
	v46 =	vmul.f32 v24, v14  }
0xa5: {  	v4 =	vmul.f32 v40, v4;
	v1 =	vadd.f32 v1, v3;
	v6 =	vmul.f32 $1.442695020e+00, v44  }
0xa6: {  	v48 =	vpop (erf);
	(erf) = vrcp.f32 v34;
	v47 =	vmul.f32 v40, v11;
	v3 =	vadd.f32 v46, v45  }
0xa7: {  	v4 =	vadd.f32 v4, v5;
	v5 =	vpop (erf);
	v1 =	vadd.f32 v1, v1;
	(erf) = vpow2.f32 v6  }
0xa8: {  	v3 =	vadd.f32 v47, v3;
	v49 =	vpop (erf)  }
0xa9: {  	v4 =	vadd.f32 v4, v4;
	v50 =	vpop (erf);
	v1 =	vmul.f32 $1.442695020e+00, v1  }
0xaa: {  	v3 =	vadd.f32 v3, v3;
	v51 =	vpop (erf)  }
0xab: {  	v4 =	vmul.f32 $1.442695020e+00, v4;
	v52 =	vpop (erf);
	(erf) = vpow2.f32 v1  }
0xac: {  	v3 =	vmul.f32 $1.442695020e+00, v3  }
0xad: {  	(erf) = vpow2.f32 v4  }
0xae: {  	(erf) = vpow2.f32 v3  }
0xaf: {  	v1 =	vadd.f32 $1.000000000e+00, v48;
	v4 =	vpop (erf)  }
0xb0: {  	v53 =	vadd.f32 v33, v33;
	v5 =	vadd.f32 $1.000000000e+00, v5;
	v3 =	vpop (erf)  }
0xb1: {  	v8 =	vadd.f32 v50, v50;
	(erf) = vrcp.f32 v1;
	v1 =	vadd.f32 $1.000000000e+00, v3  }
0xb2: {  	v6 =	vadd.f32 $1.000000000e+00, v49;
	v9 =	vadd.f32 v51, v51;
	(erf) = vrcp.f32 v5  }
0xb3: {  	v54 =	vadd.f32 v52, v52;
	v8 =	vsub.f32 $1.000000000e+00, v8;
	(erf) = vrcp.f32 v1  }
0xb4: {  	v5 =	vsub.f32 $1.000000000e+00, v53;
	v3 =	vadd.f32 v35, v35;
	v55 =	vpop (erf)  }
0xb5: {  	v7 =	vsub.f32 $1.000000000e+00, v54;
	v10 =	vadd.f32 $1.000000000e+00, v55  }
0xb6: {  	v56 =	vpop (erf);
	v1 =	vsub.f32 $1.000000000e+00, v3;
	v3 =	vadd.f32 v5, v12  }
0xb7: {  	v5 =	vadd.f32 v36, v36;
	v57 =	vpop (erf);
	v58 =	vadd.f32 $1.000000000e+00, v56;
	(erf) = vrcp.f32 v6  }
0xb8: {  	v8 =	vadd.f32 v8, v26;
	v12 =	vadd.f32 $1.000000000e+00, v57;
	(erf) = vrcp.f32 v10  }
0xb9: {  	v4 =	vadd.f32 v4, v4;
	v5 =	vsub.f32 $1.000000000e+00, v5;
	(erf) = vrcp.f32 v58  }
0xba: {  	v7 =	vadd.f32 v7, v32;
	v59 =	vpop (erf);
	v1 =	vadd.f32 v1, v22;
	(erf) = vrcp.f32 v12  }
0xbb: {  	v60 =	vpop (erf);
	[tilespmem:s22+$0x10A00] =	vst v3;
	v2 =	vadd.f32 v5, v2;
	v5 =	vsub.f32 $1.000000000e+00, v9  }
0xbc: {  	[tilespmem:s22+$0x10C00] =	vst v1;
	v1 =	vsub.f32 $1.000000000e+00, v4;
	v4 =	vadd.f32 v60, v60;
	v61 =	vpop (erf)  }
0xbd: {  	v62 =	vadd.f32 v59, v59;
	[tilespmem:s25+$0x11000] =	vst v7;
	v6 =	vadd.f32 v61, v61  }
0xbe: {  	v5 =	vadd.f32 v5, v27;
	[tilespmem:s22+$0x10E00] =	vst v2;
	v2 =	vsub.f32 $1.000000000e+00, v4  }
0xbf: {  	v1 =	vadd.f32 v1, v25;
	v3 =	vsub.f32 $1.000000000e+00, v6  }
0xc0: {  	v2 =	vadd.f32 v2, v29;
	v4 =	vpop (erf);
	v6 =	vsub.f32 $1.000000000e+00, v62  }
0xc1: {  	[tilespmem:s23+$0x10A00] =	vst v8;
	v4 =	vadd.f32 v4, v4;
	v63 =	vpop (erf);
	v3 =	vadd.f32 v3, v40  }
0xc2: {  	[tilespmem:s23+$0x10C00] =	vst v5;
	v5 =	vpop (erf);
	v7 =	vadd.f32 v63, v63;
	v6 =	vadd.f32 v6, v30  }
0xc3: {  	[tilespmem:s26+$0x11000] =	vst v3;
	v3 =	vsub.f32 $1.000000000e+00, v4;
	v4 =	vadd.f32 v5, v5;
	v5 =	vpop (erf)  }
0xc4: {  	[tilespmem:s23+$0x10E00] =	vst v1;
	v1 =	vsub.f32 $1.000000000e+00, v7;
	v5 =	vadd.f32 v5, v5  }
0xc5: {  	[tilespmem:s25+$0x10A00] =	vst v6;
	v3 =	vadd.f32 v3, v28;
	v4 =	vsub.f32 $1.000000000e+00, v4  }
0xc6: {  	[tilespmem:s25+$0x10C00] =	vst v2;
	v1 =	vadd.f32 v1, v37;
	v2 =	vsub.f32 $1.000000000e+00, v5  }
0xc7: {  	[tilespmem:s25+$0x10E00] =	vst v3;
	v3 =	vadd.f32 v4, v31  }
0xc8: {  	[tilespmem:s26+$0x10A00] =	vst v1;
	v1 =	vadd.f32 v2, v24  }
0xc9: {  	[tilespmem:s26+$0x10C00] =	vst v3  }
0xca: {  	[tilespmem:s26+$0x10E00] =	vst v1  }
0xcb: {  	_ =	swait.ge [sflag:s20], $0x4000  }
0xcc: {  	[sflag:s20] =	ssyncset.done $0x0  }
0xcd: {  	[sflag:s20] =	ssyncadd.s32 $0xFFFFC000  }
0xce: {  	_ =	swait.ge [sflag:s20], $0x4000  }
0xcf: {  	[sflag:s20] =	ssyncset.done $0x0  }
0xd0: {  	[sflag:s20] =	ssyncadd.s32 $0xFFFFC000  }
0xd1: {  	_ =	swait.ge [sflag:s20], $0x4000  }
0xd2: {  	[sflag:s20] =	ssyncset.done $0x0  }
0xd3: {  	s30 =	simm.s32 $0x0;
	[sflag:s20] =	ssyncadd.s32 $0xFFFFC000  }
0xd4: {  	v1 =	vmov s30;
	_ =	swait.ge [sflag:s20], $0x4000  }
0xd5: {  	v1 =	vshll.u32 v1, $0x7;
	[sflag:s20] =	ssyncset.done $0x0  }
0xd6: {  	s22 =	simm.s32 $0x10E00;
	v2 =	vor.u32 v0, v1;
	[sflag:s20] =	ssyncadd.s32 $0xFFFFC000  }
0xd7: {  	v3 =	vor.u32 $0x7C, v2;
	v1 =	vld [tilespmem:s22+$0xFFFFFC00];
	_ =	sdelay $0x4  }
0xd8: {  	[tilespmem:v3+s11+$0x0] =	vst.idx.msk $0xffff, v1  }
0xd9: {  	v3 =	vor.u32 $0x7D, v2;
	v1 =	vld [tilespmem:s22+$0xFFFFFE00];
	_ =	sdelay $0x4  }
0xda: {  	[tilespmem:v3+s11+$0x0] =	vst.idx.msk $0xffff, v1  }
0xdb: {  	v3 =	vor.u32 $0x7E, v2;
	v1 =	vld [tilespmem:s22+$0x0];
	_ =	sdelay $0x4  }
0xdc: {  	[tilespmem:v3+s11+$0x0] =	vst.idx.msk $0xffff, v1  }
0xdd: {  	v2 =	vor.u32 $0x7F, v2;
	v1 =	vld [tilespmem:s22+$0x200];
	_ =	sdelay $0x1  }
0xde: {  	s31 =	simm.s32 $0x10  }
0xdf: {  	s23 =	simm.s32 $0x20;
	v3 =	vmov s31  }
.LBB2_4:
0xe0: {  	p0 =	sne.s32 s23, $0x1F0;
	v3 =	vshll.u32 v3, $0x7  }
0xe1: {  	s22 =	sadd.s32 $0x10, s22;
	v3 =	vor.u32 v0, v3;
	[tilespmem:v2+s11+$0x0] =	vst.idx.msk $0xffff, v1  }
0xe2: {  	v1 =	vld [tilespmem:s22+$0xFFFFFC00];
	v2 =	vor.u32 $0x7C, v3;
	_ =	sdelay $0x4  }
0xe3: {  	[tilespmem:v2+s11+$0x0] =	vst.idx.msk $0xffff, v1  }
0xe4: {  	v2 =	vor.u32 $0x7D, v3;
	v1 =	vld [tilespmem:s22+$0xFFFFFE00];
	_ =	sdelay $0x4  }
0xe5: {  	[tilespmem:v2+s11+$0x0] =	vst.idx.msk $0xffff, v1  }
0xe6: {  	v2 =	vor.u32 $0x7E, v3;
	v1 =	vld [tilespmem:s22+$0x0];
	_ =	sdelay $0x4  }
.Ltmp1:
0xe7: {  	[tilespmem:v2+s11+$0x0] =	vst.idx.msk $0xffff, v1;
	(pc) =	sbr.rel @p0 .LBB2_4-.Ltmp1, $2  }
0xe8: {  	v2 =	vor.u32 $0x7F, v3;
	v1 =	vld [tilespmem:s22+$0x200];
	_ =	sdelay $0x2  }
0xe9: {  	v3 =	vmov s23;
	s23 =	sadd.s32 $0x10, s23  }
0xea: {  	_ =	sdelay $0x2  }
0xeb: {  	v3 =	vshll.u32 v3, $0x7  }
0xec: {  	s22 =	sadd.s32 $0x10, s22;
	v3 =	vor.u32 v0, v3;
	[tilespmem:v2+s11+$0x0] =	vst.idx.msk $0xffff, v1  }
0xed: {  	v1 =	vld [tilespmem:s22+$0xFFFFFC00];
	v2 =	vor.u32 $0x7C, v3;
	_ =	sdelay $0x4  }
0xee: {  	[tilespmem:v2+s11+$0x0] =	vst.idx.msk $0xffff, v1  }
0xef: {  	v2 =	vor.u32 $0x7D, v3;
	v1 =	vld [tilespmem:s22+$0xFFFFFE00];
	_ =	sdelay $0x4  }
0xf0: {  	[tilespmem:v2+s11+$0x0] =	vst.idx.msk $0xffff, v1  }
0xf1: {  	v2 =	vor.u32 $0x7E, v3;
	v1 =	vld [tilespmem:s22+$0x0];
	_ =	sdelay $0x4  }
0xf2: {  	[tilespmem:v2+s11+$0x0] =	vst.idx.msk $0xffff, v1  }
0xf3: {  	v2 =	vor.u32 $0x7F, v3;
	v1 =	vld [tilespmem:s22+$0x200];
	_ =	sdelay $0x2  }
0xf4: {  	s21 =	sadd.s32 $0x1, s21  }
0xf5: {  	p0 =	sne.s32 s21, s8  }
.Ltmp2:
0xf6: {  	[tilespmem:v2+s11+$0x0] =	vst.idx.msk $0xffff, v1;
	(pc) =	sbr.rel @p0 .LBB2_1-.Ltmp2, $4  }
0xf7: {  	[hbm4b:s7+s2] =	stream.linear.scatter [tilespmem:s11], [sflag:$0x2], $0x10000, $0x38;
	[tilespmem:$0x11220] =	vst v63  }
0xf8: {  	_ =	swait.ge [sflag:s9], $0x10000  }
0xf9: {  	[sflag:s9] =	ssyncset.done $0x0  }
0xfa: {  	[sflag:s9] =	ssyncadd.s32 $0xFFFF0000  }
0xfb: {  	_ =	sfence.sel $0x180000  }
0xfc: {  	[bflag:$0x0] =	sbarrier.arrive $0xFFFF  }
0xfd: {  	p0 =	sne.s32 s1, $0x0;
	_ =	strace $0x90000047  }
0xfe: {  	s0 =	sadd.s32 @!p0 $0x100000, s0;
	[bflag:$0x2] =	sbarrier.arrive $0xFFFF  }
0xff: {  	[sflag:s0] =	ssyncadd.tile.s32 @!p0 $0x1;
	_ =	shalt  }
.Lfunc_end2:
_tile_overlayer_lowered:
.L_overlay_start_2:
0x100: {  	(tag) =	ssettag $0x2  }
0x101: {  	s0 =	rddreg [dreg:$0x0];
	s2 =	stileid.u32  }
0x102: {  	s1 =	rddreg [dreg:$0x1];
	p0 =	sne.s32 s2, $0x0  }
0x103: {  	s3 =	rddreg [dreg:$0x2];
	[bflag:$0x3] =	sbarrier.arrive $0xFFFF;
	s2 =	simm.s32 @!p0 $0x1C02  }
0x104: {  	[timem:s3], [sflag:s2] =	dma.local @!p0 [hbm:s0], s1  }
0x105: {  	s0 =	simm.s32 @!p0 $0x2  }
0x106: {  	_ =	swait.ge @!p0 [sflag:s0], s1  }
0x107: {  	s1 =	ssub.s32 @!p0 $0x0, s1;
	[sflag:s0] =	ssyncset.done @!p0 $0x0  }
0x108: {  	[sflag:s0] =	ssyncadd.s32 @!p0 s1  }
0x109: {  	[bflag:$0x3] =	sbarrier.arrive $0xFFFF  }
0x10a: {  	_ =	shalt  }

</sc_bundles>
